<compile_context>
chip_gen: v7x
topology: tpu7x:2x2x1
jax: 0.10.2.dev20260603
libtpu: 0.0.44.dev20260713+nightly
codegen_flags: <defaults>
</compile_context>

<pallas_src>
import functools

import numpy as np

import jax
import jax.numpy as jnp
from jax import lax
from jax.experimental import pallas as pl
from jax.experimental.pallas import tpu as pltpu
from jax.experimental.pallas import tpu_sc as plsc

TOPK_K = 384
C = 768
R = 49
B = 256

_F = jnp.float32


def _erfc_f32(y):
    one = _F(1.0)
    x2 = y * y
    absy = jnp.abs(y)

    p = x2 * _F(7.85386146e-05)
    p = p + _F(-0.000801019371)
    p = p * x2 + _F(0.00518832775)
    p = p * x2 + _F(-0.0268538129)
    p = p * x2 + _F(0.112835854)
    p = p * x2 + _F(-0.37612626)
    p = p * x2 + _F(1.12837911)
    res_lt1 = one - y * p

    z = jnp.exp(-x2)
    rq = z * (one / absy)
    s = one / x2
    pp = s * _F(0.0232682)
    pp = pp + _F(-0.138703942)
    pp = pp * s + _F(0.368742466)
    pp = pp * s + _F(-0.582473278)
    pp = pp * s + _F(0.621000469)
    pp = pp * s + _F(-0.494451523)
    pp = pp * s + _F(0.340488)
    pp = pp * s + _F(-0.274112701)
    pp = pp * s + _F(0.563825965)
    rr = s * _F(-10.477664)
    rr = rr + _F(12.9772)
    rr = rr * s + _F(-7.49551868)
    rr = rr * s + _F(2.92101908)
    rr = rr * s + _F(-1.01526523)
    rr = rr * s + _F(0.42184633)
    rr = rr * s + _F(-0.282076746)
    rr = rr * s + _F(0.564189494)
    val = rq * jnp.where(absy < _F(2.0), pp, rr)
    val = jnp.where(-x2 < _F(-88.7228394), _F(0.0), val)
    res_ge1 = jnp.where(y < _F(0.0), _F(2.0) - val, val)

    return jnp.where(absy < one, res_lt1, res_ge1)


def _select_topk_counts(sm):
    key = jax.lax.bitcast_convert_type(sm, jnp.int32)

    thr = jnp.zeros((B, 1), dtype=jnp.int32)
    for bit in range(30, -1, -1):
        cand = thr | jnp.int32(1 << bit)
        cnt = jnp.sum((key >= cand).astype(jnp.int32), axis=-1, keepdims=True)
        thr = jnp.where(cnt >= TOPK_K, cand, thr)

    gt = key > thr
    eq = key == thr
    n_gt = jnp.sum(gt.astype(jnp.int32), axis=-1, keepdims=True)
    extra = TOPK_K - n_gt

    tri = (jax.lax.broadcasted_iota(jnp.int32, (C, C), 0)
           < jax.lax.broadcasted_iota(jnp.int32, (C, C), 1)
           ).astype(jnp.bfloat16)
    eq_pref = jax.lax.dot_general(
        eq.astype(jnp.bfloat16), tri, (((1,), (0,)), ((), ())),
        preferred_element_type=jnp.float32).astype(jnp.int32)
    sel = gt | (eq & (eq_pref < extra))
    pos = jax.lax.dot_general(
        sel.astype(jnp.bfloat16), tri, (((1,), (0,)), ((), ())),
        preferred_element_type=jnp.float32).astype(jnp.int32)
    return pos + sel.astype(jnp.int32)


def _score_body(qt_ref, w_ref, b_ref, slot_ref, sum_ref, max_ref):
    r = pl.program_id(0)
    qr = qt_ref[...].reshape(B, C)

    @pl.when(r == 0)
    def _init():
        sum_ref[...] = qr
        max_ref[...] = qr

    @pl.when(r > 0)
    def _acc():
        sum_ref[...] = sum_ref[...] + qr
        max_ref[...] = jnp.maximum(max_ref[...], qr)

    @pl.when(r == R - 1)
    def _epilogue():
        mean_bf = (sum_ref[...] * _F(0.0204081628)).astype(jnp.bfloat16)
        max_bf = max_ref[...].astype(jnp.bfloat16)
        lhs = jnp.concatenate([mean_bf, max_bf], axis=1)
        x = jax.lax.dot_general(
            lhs, w_ref[...], (((1,), (0,)), ((), ())),
            preferred_element_type=jnp.float32) + b_ref[...]
        g = (x * _F(0.5)) * _erfc_f32(-x * _F(0.707106769))
        mx = jnp.max(g, axis=1, keepdims=True)
        e = jnp.exp(g - mx)
        se = jnp.sum(e, axis=1, keepdims=True)
        sm = e / se
        slot_ref[...] = _select_topk_counts(sm)


def _compute_slots(q, W, b):
    b2 = b.reshape(1, C)
    qt = jnp.transpose(q, (1, 0, 2))
    return pl.pallas_call(
        _score_body,
        grid=(R,),
        in_specs=[
            pl.BlockSpec((1, B, C), lambda r: (r, 0, 0)),
            pl.BlockSpec((2 * C, C), lambda r: (0, 0)),
            pl.BlockSpec((1, C), lambda r: (0, 0)),
        ],
        out_specs=pl.BlockSpec((B, C), lambda r: (0, 0)),
        out_shape=jax.ShapeDtypeStruct((B, C), jnp.int32),
        scratch_shapes=[
            pltpu.VMEM((B, C), jnp.float32),
            pltpu.VMEM((B, C), jnp.float32),
        ],
    )(qt, W, b2)


_NW = 32
_BPW = B // _NW


def _sc_gather_body(q_hbm, s_hbm, out_hbm, qv, sv, outv):
    nc = lax.axis_size("c")
    wid = lax.axis_index("s") * nc + lax.axis_index("c")
    lane = lax.iota(jnp.int32, 16)

    def _batch(bi, _):
        b = wid * _BPW + bi
        pltpu.sync_copy(q_hbm.at[b], qv)
        pltpu.sync_copy(s_hbm.at[b], sv)

        def _jblock(jb, _):
            target = lane + (jb * 16 + 1)
            pos = jnp.full((16,), -1, jnp.int32)
            for step in (512, 256, 128, 64, 32, 16, 8, 4, 2, 1):
                npos = jnp.minimum(pos + step, C - 1)
                sval = plsc.load_gather(sv, [npos])
                pos = jnp.where(sval < target, npos, pos)
            idx = pos + 1

            def _row(r, _):
                rvec = jnp.broadcast_to(r, (16,))
                outv[r, pl.ds(jb * 16, 16)] = plsc.load_gather(
                    qv, [rvec, idx])
                return 0

            lax.fori_loop(0, R, _row, 0, unroll=7)
            return 0

        lax.fori_loop(0, TOPK_K // 16, _jblock, 0)

        pltpu.sync_copy(outv, out_hbm.at[b])
        return 0

    lax.fori_loop(0, _BPW, _batch, 0)


@functools.partial(
    pl.kernel,
    mesh=plsc.VectorSubcoreMesh(core_axis_name="c", subcore_axis_name="s"),
    out_type=jax.ShapeDtypeStruct((B, R, TOPK_K), jnp.float32),
    scratch_types=[
        pltpu.VMEM((R, C), jnp.float32),
        pltpu.VMEM((C,), jnp.int32),
        pltpu.VMEM((R, TOPK_K), jnp.float32),
    ],
    compiler_params=pltpu.CompilerParams(needs_layout_passes=False),
)
def _sc_gather(q_hbm, s_hbm, out_hbm, qv, sv, outv):
    _sc_gather_body(q_hbm, s_hbm, out_hbm, qv, sv, outv)


@jax.jit
def kernel(q, W, b):
    s = _compute_slots(q, W, b)
    return _sc_gather(q, s)

# --- scband reference (transcript-rebuilt; emitter-appended) ---
"""Pipeline reference for scband-channel-topk-62328565399657 (READ-ONLY COPY).

The authoritative reference and input builder live on the scoring server;
editing this copy changes nothing except your own understanding.
"""

import jax, jax.numpy as jnp
import numpy as np

TOPK = 384

def setup_inputs(seed: int = 0) -> dict:
    key = jax.random.key(seed)
    k1, k2 = jax.random.split(key)
    q = jax.random.normal(k1, (256, 49, 768), dtype=jnp.float32)
    # Linear(in_dim*2 -> in_dim): store W as [2*in_dim, in_dim] for x @ W
    W = jax.random.normal(k2, (1536, 768), dtype=jnp.float32) * 0.02
    b = jnp.zeros((768,), dtype=jnp.float32)
    return {"q": q, "W": W, "b": b}

def reference(q, W, b):
    # x = q.mean(dim=1); x1 = q.max(dim=1)
    x_mean = jnp.mean(q, axis=1)              # [B, C]
    x_max = jnp.max(q, axis=1)                # [B, C]
    x = jnp.concatenate([x_mean, x_max], axis=1)  # [B, 2C]
    # nn.Linear -> GELU (exact/erf, torch default) -> Softmax(dim=1)
    x = x @ W + b                              # [B, C]
    x = jax.nn.gelu(x, approximate=False)
    x = jax.nn.softmax(x, axis=1)
    # topk over channels (sorted=False in torch; order irrelevant after sort)
    _val, idx = jax.lax.top_k(x, TOPK)         # [B, k]
    # sorted_idx, new_idx = sort(idx); p = gather(idx, new_idx) == sorted idx
    p = jnp.sort(idx, axis=-1)                 # [B, k]
    ppp = jnp.broadcast_to(p[:, None, :], (q.shape[0], 49, TOPK))
    out = jnp.take_along_axis(q, ppp, axis=-1) # [B, 49, k]
    return out

if __name__ == "__main__":
    import jax
    _d = setup_inputs()
    print(jax.jit(kernel)(*tuple(_d.values())))

</pallas_src>

<mosaic_0001>
#map = affine_map<(d0, d1) -> (0, 0, 0)>
#map1 = affine_map<(d0, d1) -> (0, 0)>
module attributes {stable_mosaic.version = 14 : i64} {
  func.func @_sc_gather(%arg0: i32, %arg1: i32, %arg2: memref<256x49x768xf32, #tpu.memory_space<hbm>>, %arg3: memref<256x768xi32, #tpu.memory_space<hbm>>, %arg4: memref<256x49x384xf32, #tpu.memory_space<hbm>>, %arg5: memref<49x768xf32, #tpu.memory_space<vmem>>, %arg6: memref<768xi32, #tpu.memory_space<vmem>>, %arg7: memref<49x384xf32, #tpu.memory_space<vmem>>) attributes {dimension_semantics = [#tpu.dimension_semantics<core_parallel>, #tpu.dimension_semantics<subcore_parallel>], iteration_bounds = array<i64: 2, 16>, scalar_prefetch = 0 : i64, scratch_operands = 3 : i64, tpu.core_type = #tpu.core_type<sc_vector_subcore>, window_params = [{transform_indices = #map}, {transform_indices = #map1}, {transform_indices = #map}]} {
    %mul3A = arith.constant 2 : i32
    %mul3A_0 = arith.muli %arg1, %mul3A : i32
    %add3A = arith.addi %mul3A_0, %arg0 : i32
    %iota3A = tpu.iota {dimensions = array<i32: 0>} : vector<16xi32>
    %scan3A = arith.constant 0 : i32
    %scan3A_1 = arith.constant 0 : i32
    %scan3A_2 = arith.constant 8 : i32
    %scan3A_3 = arith.addi %scan3A_1, %scan3A_2 : i32
    %scan3A_4 = arith.constant 1 : i32
    %scan3A_5 = scf.for %scan3A_7 = %scan3A_1 to %scan3A_3 step %scan3A_4 iter_args(%scan3A_8 = %scan3A) -> (i32)  : i32 {
      %mul3A_9 = arith.constant 8 : i32
      %mul3A_10 = arith.muli %add3A, %mul3A_9 : i32
      %add3A_11 = arith.addi %mul3A_10, %scan3A_7 : i32
      "tpu.region"() ({
        %run_scoped3A = tpu.sem_alloc : memref<!tpu.dma_semaphore, #tpu.memory_space<semaphore_mem>>
        %dma_start3A = arith.constant 0 : i32
        %dma_start3A_20 = arith.constant 0 : i32
        %dma_start3A_21 = tpu.memref_slice %arg2[%add3A_11, %dma_start3A, %dma_start3A_20] : memref<256x49x768xf32, #tpu.memory_space<hbm>> -> memref<1x49x768xf32, #tpu.memory_space<hbm>>
        %dma_start3A_22 = tpu.memref_squeeze %dma_start3A_21 : memref<1x49x768xf32, #tpu.memory_space<hbm>> -> memref<49x768xf32, #tpu.memory_space<hbm>>
        %dma_start3A_23 = arith.constant 0 : i32
        %dma_start3A_24 = arith.constant 0 : i32
        %dma_start3A_25 = tpu.memref_slice %arg2[%add3A_11, %dma_start3A_23, %dma_start3A_24] : memref<256x49x768xf32, #tpu.memory_space<hbm>> -> memref<1x49x768xf32, #tpu.memory_space<hbm>>
        %dma_start3A_26 = tpu.memref_squeeze %dma_start3A_25 : memref<1x49x768xf32, #tpu.memory_space<hbm>> -> memref<49x768xf32, #tpu.memory_space<hbm>>
        tpu.enqueue_dma source(%dma_start3A_26 : memref<49x768xf32, #tpu.memory_space<hbm>>) target(%arg5 : memref<49x768xf32, #tpu.memory_space<vmem>>) target_semaphore(%run_scoped3A : memref<!tpu.dma_semaphore, #tpu.memory_space<semaphore_mem>>)
        %dma_wait3A = arith.constant 0 : i32
        %dma_wait3A_27 = arith.constant 0 : i32
        %dma_wait3A_28 = tpu.memref_slice %arg2[%add3A_11, %dma_wait3A, %dma_wait3A_27] : memref<256x49x768xf32, #tpu.memory_space<hbm>> -> memref<1x49x768xf32, #tpu.memory_space<hbm>>
        %dma_wait3A_29 = tpu.memref_squeeze %dma_wait3A_28 : memref<1x49x768xf32, #tpu.memory_space<hbm>> -> memref<49x768xf32, #tpu.memory_space<hbm>>
        %dma_wait3A_30 = arith.constant 0 : i32
        %dma_wait3A_31 = arith.constant 0 : i32
        %dma_wait3A_32 = tpu.memref_slice %arg2[%add3A_11, %dma_wait3A_30, %dma_wait3A_31] : memref<256x49x768xf32, #tpu.memory_space<hbm>> -> memref<1x49x768xf32, #tpu.memory_space<hbm>>
        %dma_wait3A_33 = tpu.memref_squeeze %dma_wait3A_32 : memref<1x49x768xf32, #tpu.memory_space<hbm>> -> memref<49x768xf32, #tpu.memory_space<hbm>>
        tpu.wait_dma2 semaphore(%run_scoped3A : memref<!tpu.dma_semaphore, #tpu.memory_space<semaphore_mem>>) src(%dma_wait3A_33 : memref<49x768xf32, #tpu.memory_space<hbm>>) dst(%arg5 : memref<49x768xf32, #tpu.memory_space<vmem>>)
        tpu.yield
      }) : () -> ()
      "tpu.region"() ({
        %run_scoped3A = tpu.sem_alloc : memref<!tpu.dma_semaphore, #tpu.memory_space<semaphore_mem>>
        %dma_start3A = arith.constant 0 : i32
        %dma_start3A_20 = tpu.memref_slice %arg3[%add3A_11, %dma_start3A] : memref<256x768xi32, #tpu.memory_space<hbm>> -> memref<1x768xi32, #tpu.memory_space<hbm>>
        %dma_start3A_21 = tpu.memref_squeeze %dma_start3A_20 : memref<1x768xi32, #tpu.memory_space<hbm>> -> memref<768xi32, #tpu.memory_space<hbm>>
        %dma_start3A_22 = arith.constant 0 : i32
        %dma_start3A_23 = tpu.memref_slice %arg3[%add3A_11, %dma_start3A_22] : memref<256x768xi32, #tpu.memory_space<hbm>> -> memref<1x768xi32, #tpu.memory_space<hbm>>
        %dma_start3A_24 = tpu.memref_squeeze %dma_start3A_23 : memref<1x768xi32, #tpu.memory_space<hbm>> -> memref<768xi32, #tpu.memory_space<hbm>>
        tpu.enqueue_dma source(%dma_start3A_24 : memref<768xi32, #tpu.memory_space<hbm>>) target(%arg6 : memref<768xi32, #tpu.memory_space<vmem>>) target_semaphore(%run_scoped3A : memref<!tpu.dma_semaphore, #tpu.memory_space<semaphore_mem>>)
        %dma_wait3A = arith.constant 0 : i32
        %dma_wait3A_25 = tpu.memref_slice %arg3[%add3A_11, %dma_wait3A] : memref<256x768xi32, #tpu.memory_space<hbm>> -> memref<1x768xi32, #tpu.memory_space<hbm>>
        %dma_wait3A_26 = tpu.memref_squeeze %dma_wait3A_25 : memref<1x768xi32, #tpu.memory_space<hbm>> -> memref<768xi32, #tpu.memory_space<hbm>>
        %dma_wait3A_27 = arith.constant 0 : i32
        %dma_wait3A_28 = tpu.memref_slice %arg3[%add3A_11, %dma_wait3A_27] : memref<256x768xi32, #tpu.memory_space<hbm>> -> memref<1x768xi32, #tpu.memory_space<hbm>>
        %dma_wait3A_29 = tpu.memref_squeeze %dma_wait3A_28 : memref<1x768xi32, #tpu.memory_space<hbm>> -> memref<768xi32, #tpu.memory_space<hbm>>
        tpu.wait_dma2 semaphore(%run_scoped3A : memref<!tpu.dma_semaphore, #tpu.memory_space<semaphore_mem>>) src(%dma_wait3A_29 : memref<768xi32, #tpu.memory_space<hbm>>) dst(%arg6 : memref<768xi32, #tpu.memory_space<vmem>>)
        tpu.yield
      }) : () -> ()
      %scan3A_12 = arith.constant 0 : i32
      %scan3A_13 = arith.constant 0 : i32
      %scan3A_14 = arith.constant 24 : i32
      %scan3A_15 = arith.addi %scan3A_13, %scan3A_14 : i32
      %scan3A_16 = arith.constant 1 : i32
      %scan3A_17 = scf.for %scan3A_20 = %scan3A_13 to %scan3A_15 step %scan3A_16 iter_args(%scan3A_21 = %scan3A_12) -> (i32)  : i32 {
        %mul3A_22 = arith.constant 16 : i32
        %mul3A_23 = arith.muli %scan3A_20, %mul3A_22 : i32
        %add3A_24 = arith.constant 1 : i32
        %add3A_25 = arith.addi %mul3A_23, %add3A_24 : i32
        %add3A_26 = vector.broadcast %add3A_25 : i32 to vector<16xi32>
        %add3A_27 = arith.addi %iota3A, %add3A_26 : vector<16xi32>
        %broadcast_in_dim3A = arith.constant -1 : i32
        %broadcast_in_dim3A_28 = vector.broadcast %broadcast_in_dim3A : i32 to vector<16xi32>
        %add3A_29 = arith.constant 512 : i32
        %add3A_30 = vector.broadcast %add3A_29 : i32 to vector<16xi32>
        %add3A_31 = arith.addi %broadcast_in_dim3A_28, %add3A_30 : vector<16xi32>
        %min3A = arith.constant 767 : i32
        %min3A_32 = vector.broadcast %min3A : i32 to vector<16xi32>
        %min3A_33 = arith.minsi %add3A_31, %min3A_32 : vector<16xi32>
        %gather3A = tpu.vector_load_idx %arg6[%min3A_33] : memref<768xi32, #tpu.memory_space<vmem>>[vector<16xi32>], vector<16xi32>,
        %lt3A = arith.cmpi slt, %gather3A, %add3A_27 : vector<16xi32>
        %select_n3A = arith.select %lt3A, %min3A_33, %broadcast_in_dim3A_28 : vector<16xi1>, vector<16xi32>
        %add3A_34 = arith.constant 256 : i32
        %add3A_35 = vector.broadcast %add3A_34 : i32 to vector<16xi32>
        %add3A_36 = arith.addi %select_n3A, %add3A_35 : vector<16xi32>
        %min3A_37 = arith.constant 767 : i32
        %min3A_38 = vector.broadcast %min3A_37 : i32 to vector<16xi32>
        %min3A_39 = arith.minsi %add3A_36, %min3A_38 : vector<16xi32>
        %gather3A_40 = tpu.vector_load_idx %arg6[%min3A_39] : memref<768xi32, #tpu.memory_space<vmem>>[vector<16xi32>], vector<16xi32>,
        %lt3A_41 = arith.cmpi slt, %gather3A_40, %add3A_27 : vector<16xi32>
        %select_n3A_42 = arith.select %lt3A_41, %min3A_39, %select_n3A : vector<16xi1>, vector<16xi32>
        %add3A_43 = arith.constant 128 : i32
        %add3A_44 = vector.broadcast %add3A_43 : i32 to vector<16xi32>
        %add3A_45 = arith.addi %select_n3A_42, %add3A_44 : vector<16xi32>
        %min3A_46 = arith.constant 767 : i32
        %min3A_47 = vector.broadcast %min3A_46 : i32 to vector<16xi32>
        %min3A_48 = arith.minsi %add3A_45, %min3A_47 : vector<16xi32>
        %gather3A_49 = tpu.vector_load_idx %arg6[%min3A_48] : memref<768xi32, #tpu.memory_space<vmem>>[vector<16xi32>], vector<16xi32>,
        %lt3A_50 = arith.cmpi slt, %gather3A_49, %add3A_27 : vector<16xi32>
        %select_n3A_51 = arith.select %lt3A_50, %min3A_48, %select_n3A_42 : vector<16xi1>, vector<16xi32>
        %add3A_52 = arith.constant 64 : i32
        %add3A_53 = vector.broadcast %add3A_52 : i32 to vector<16xi32>
        %add3A_54 = arith.addi %select_n3A_51, %add3A_53 : vector<16xi32>
        %min3A_55 = arith.constant 767 : i32
        %min3A_56 = vector.broadcast %min3A_55 : i32 to vector<16xi32>
        %min3A_57 = arith.minsi %add3A_54, %min3A_56 : vector<16xi32>
        %gather3A_58 = tpu.vector_load_idx %arg6[%min3A_57] : memref<768xi32, #tpu.memory_space<vmem>>[vector<16xi32>], vector<16xi32>,
        %lt3A_59 = arith.cmpi slt, %gather3A_58, %add3A_27 : vector<16xi32>
        %select_n3A_60 = arith.select %lt3A_59, %min3A_57, %select_n3A_51 : vector<16xi1>, vector<16xi32>
        %add3A_61 = arith.constant 32 : i32
        %add3A_62 = vector.broadcast %add3A_61 : i32 to vector<16xi32>
        %add3A_63 = arith.addi %select_n3A_60, %add3A_62 : vector<16xi32>
        %min3A_64 = arith.constant 767 : i32
        %min3A_65 = vector.broadcast %min3A_64 : i32 to vector<16xi32>
        %min3A_66 = arith.minsi %add3A_63, %min3A_65 : vector<16xi32>
        %gather3A_67 = tpu.vector_load_idx %arg6[%min3A_66] : memref<768xi32, #tpu.memory_space<vmem>>[vector<16xi32>], vector<16xi32>,
        %lt3A_68 = arith.cmpi slt, %gather3A_67, %add3A_27 : vector<16xi32>
        %select_n3A_69 = arith.select %lt3A_68, %min3A_66, %select_n3A_60 : vector<16xi1>, vector<16xi32>
        %add3A_70 = arith.constant 16 : i32
        %add3A_71 = vector.broadcast %add3A_70 : i32 to vector<16xi32>
        %add3A_72 = arith.addi %select_n3A_69, %add3A_71 : vector<16xi32>
        %min3A_73 = arith.constant 767 : i32
        %min3A_74 = vector.broadcast %min3A_73 : i32 to vector<16xi32>
        %min3A_75 = arith.minsi %add3A_72, %min3A_74 : vector<16xi32>
        %gather3A_76 = tpu.vector_load_idx %arg6[%min3A_75] : memref<768xi32, #tpu.memory_space<vmem>>[vector<16xi32>], vector<16xi32>,
        %lt3A_77 = arith.cmpi slt, %gather3A_76, %add3A_27 : vector<16xi32>
        %select_n3A_78 = arith.select %lt3A_77, %min3A_75, %select_n3A_69 : vector<16xi1>, vector<16xi32>
        %add3A_79 = arith.constant 8 : i32
        %add3A_80 = vector.broadcast %add3A_79 : i32 to vector<16xi32>
        %add3A_81 = arith.addi %select_n3A_78, %add3A_80 : vector<16xi32>
        %min3A_82 = arith.constant 767 : i32
        %min3A_83 = vector.broadcast %min3A_82 : i32 to vector<16xi32>
        %min3A_84 = arith.minsi %add3A_81, %min3A_83 : vector<16xi32>
        %gather3A_85 = tpu.vector_load_idx %arg6[%min3A_84] : memref<768xi32, #tpu.memory_space<vmem>>[vector<16xi32>], vector<16xi32>,
        %lt3A_86 = arith.cmpi slt, %gather3A_85, %add3A_27 : vector<16xi32>
        %select_n3A_87 = arith.select %lt3A_86, %min3A_84, %select_n3A_78 : vector<16xi1>, vector<16xi32>
        %add3A_88 = arith.constant 4 : i32
        %add3A_89 = vector.broadcast %add3A_88 : i32 to vector<16xi32>
        %add3A_90 = arith.addi %select_n3A_87, %add3A_89 : vector<16xi32>
        %min3A_91 = arith.constant 767 : i32
        %min3A_92 = vector.broadcast %min3A_91 : i32 to vector<16xi32>
        %min3A_93 = arith.minsi %add3A_90, %min3A_92 : vector<16xi32>
        %gather3A_94 = tpu.vector_load_idx %arg6[%min3A_93] : memref<768xi32, #tpu.memory_space<vmem>>[vector<16xi32>], vector<16xi32>,
        %lt3A_95 = arith.cmpi slt, %gather3A_94, %add3A_27 : vector<16xi32>
        %select_n3A_96 = arith.select %lt3A_95, %min3A_93, %select_n3A_87 : vector<16xi1>, vector<16xi32>
        %add3A_97 = arith.constant 2 : i32
        %add3A_98 = vector.broadcast %add3A_97 : i32 to vector<16xi32>
        %add3A_99 = arith.addi %select_n3A_96, %add3A_98 : vector<16xi32>
        %min3A_100 = arith.constant 767 : i32
        %min3A_101 = vector.broadcast %min3A_100 : i32 to vector<16xi32>
        %min3A_102 = arith.minsi %add3A_99, %min3A_101 : vector<16xi32>
        %gather3A_103 = tpu.vector_load_idx %arg6[%min3A_102] : memref<768xi32, #tpu.memory_space<vmem>>[vector<16xi32>], vector<16xi32>,
        %lt3A_104 = arith.cmpi slt, %gather3A_103, %add3A_27 : vector<16xi32>
        %select_n3A_105 = arith.select %lt3A_104, %min3A_102, %select_n3A_96 : vector<16xi1>, vector<16xi32>
        %add3A_106 = arith.constant 1 : i32
        %add3A_107 = vector.broadcast %add3A_106 : i32 to vector<16xi32>
        %add3A_108 = arith.addi %select_n3A_105, %add3A_107 : vector<16xi32>
        %min3A_109 = arith.constant 767 : i32
        %min3A_110 = vector.broadcast %min3A_109 : i32 to vector<16xi32>
        %min3A_111 = arith.minsi %add3A_108, %min3A_110 : vector<16xi32>
        %gather3A_112 = tpu.vector_load_idx %arg6[%min3A_111] : memref<768xi32, #tpu.memory_space<vmem>>[vector<16xi32>], vector<16xi32>,
        %lt3A_113 = arith.cmpi slt, %gather3A_112, %add3A_27 : vector<16xi32>
        %select_n3A_114 = arith.select %lt3A_113, %min3A_111, %select_n3A_105 : vector<16xi1>, vector<16xi32>
        %add3A_115 = arith.constant 1 : i32
        %add3A_116 = vector.broadcast %add3A_115 : i32 to vector<16xi32>
        %add3A_117 = arith.addi %select_n3A_114, %add3A_116 : vector<16xi32>
        %scan3A_118 = arith.constant 0 : i32
        %scan3A_119 = arith.constant 0 : i32
        %scan3A_120 = arith.constant 49 : i32
        %scan3A_121 = arith.addi %scan3A_119, %scan3A_120 : i32
        %scan3A_122 = arith.constant 7 : i32
        %scan3A_123 = scf.for %scan3A_126 = %scan3A_119 to %scan3A_121 step %scan3A_122 iter_args(%scan3A_127 = %scan3A_118) -> (i32)  : i32 {
          %broadcast_in_dim3A_128 = vector.broadcast %scan3A_126 : i32 to vector<16xi32>
          %gather3A_129 = tpu.vector_load_idx %arg5[%broadcast_in_dim3A_128, %add3A_117] : memref<49x768xf32, #tpu.memory_space<vmem>>[vector<16xi32>, vector<16xi32>], vector<16xf32>,
          %mul3A_130 = arith.constant 16 : i32
          %mul3A_131 = arith.muli %scan3A_20, %mul3A_130 : i32
          %swap3A = arith.index_cast %scan3A_126 : i32 to index
          %swap3A_132 = arith.index_cast %mul3A_131 : i32 to index
          %swap3A_133 = tpu.vector_load %arg7[%swap3A, %swap3A_132] {strides = array<i32>} : memref<49x384xf32, #tpu.memory_space<vmem>>, vector<16xf32>,
          tpu.vector_store %arg7[%swap3A, %swap3A_132], %gather3A_129 {strides = array<i32>} : memref<49x384xf32, #tpu.memory_space<vmem>>, vector<16xf32>,
          %scan3A_134 = arith.constant 0 : i32
          %scan3A_135 = arith.constant 1 : i32
          %scan3A_136 = arith.addi %scan3A_126, %scan3A_135 : i32
          %broadcast_in_dim3A_137 = vector.broadcast %scan3A_136 : i32 to vector<16xi32>
          %gather3A_138 = tpu.vector_load_idx %arg5[%broadcast_in_dim3A_137, %add3A_117] : memref<49x768xf32, #tpu.memory_space<vmem>>[vector<16xi32>, vector<16xi32>], vector<16xf32>,
          %mul3A_139 = arith.constant 16 : i32
          %mul3A_140 = arith.muli %scan3A_20, %mul3A_139 : i32
          %swap3A_141 = arith.index_cast %scan3A_136 : i32 to index
          %swap3A_142 = arith.index_cast %mul3A_140 : i32 to index
          %swap3A_143 = tpu.vector_load %arg7[%swap3A_141, %swap3A_142] {strides = array<i32>} : memref<49x384xf32, #tpu.memory_space<vmem>>, vector<16xf32>,
          tpu.vector_store %arg7[%swap3A_141, %swap3A_142], %gather3A_138 {strides = array<i32>} : memref<49x384xf32, #tpu.memory_space<vmem>>, vector<16xf32>,
          %scan3A_144 = arith.constant 0 : i32
          %scan3A_145 = arith.constant 2 : i32
          %scan3A_146 = arith.addi %scan3A_126, %scan3A_145 : i32
          %broadcast_in_dim3A_147 = vector.broadcast %scan3A_146 : i32 to vector<16xi32>
          %gather3A_148 = tpu.vector_load_idx %arg5[%broadcast_in_dim3A_147, %add3A_117] : memref<49x768xf32, #tpu.memory_space<vmem>>[vector<16xi32>, vector<16xi32>], vector<16xf32>,
          %mul3A_149 = arith.constant 16 : i32
          %mul3A_150 = arith.muli %scan3A_20, %mul3A_149 : i32
          %swap3A_151 = arith.index_cast %scan3A_146 : i32 to index
          %swap3A_152 = arith.index_cast %mul3A_150 : i32 to index
          %swap3A_153 = tpu.vector_load %arg7[%swap3A_151, %swap3A_152] {strides = array<i32>} : memref<49x384xf32, #tpu.memory_space<vmem>>, vector<16xf32>,
          tpu.vector_store %arg7[%swap3A_151, %swap3A_152], %gather3A_148 {strides = array<i32>} : memref<49x384xf32, #tpu.memory_space<vmem>>, vector<16xf32>,
          %scan3A_154 = arith.constant 0 : i32
          %scan3A_155 = arith.constant 3 : i32
          %scan3A_156 = arith.addi %scan3A_126, %scan3A_155 : i32
          %broadcast_in_dim3A_157 = vector.broadcast %scan3A_156 : i32 to vector<16xi32>
          %gather3A_158 = tpu.vector_load_idx %arg5[%broadcast_in_dim3A_157, %add3A_117] : memref<49x768xf32, #tpu.memory_space<vmem>>[vector<16xi32>, vector<16xi32>], vector<16xf32>,
          %mul3A_159 = arith.constant 16 : i32
          %mul3A_160 = arith.muli %scan3A_20, %mul3A_159 : i32
          %swap3A_161 = arith.index_cast %scan3A_156 : i32 to index
          %swap3A_162 = arith.index_cast %mul3A_160 : i32 to index
          %swap3A_163 = tpu.vector_load %arg7[%swap3A_161, %swap3A_162] {strides = array<i32>} : memref<49x384xf32, #tpu.memory_space<vmem>>, vector<16xf32>,
          tpu.vector_store %arg7[%swap3A_161, %swap3A_162], %gather3A_158 {strides = array<i32>} : memref<49x384xf32, #tpu.memory_space<vmem>>, vector<16xf32>,
          %scan3A_164 = arith.constant 0 : i32
          %scan3A_165 = arith.constant 4 : i32
          %scan3A_166 = arith.addi %scan3A_126, %scan3A_165 : i32
          %broadcast_in_dim3A_167 = vector.broadcast %scan3A_166 : i32 to vector<16xi32>
          %gather3A_168 = tpu.vector_load_idx %arg5[%broadcast_in_dim3A_167, %add3A_117] : memref<49x768xf32, #tpu.memory_space<vmem>>[vector<16xi32>, vector<16xi32>], vector<16xf32>,
          %mul3A_169 = arith.constant 16 : i32
          %mul3A_170 = arith.muli %scan3A_20, %mul3A_169 : i32
          %swap3A_171 = arith.index_cast %scan3A_166 : i32 to index
          %swap3A_172 = arith.index_cast %mul3A_170 : i32 to index
          %swap3A_173 = tpu.vector_load %arg7[%swap3A_171, %swap3A_172] {strides = array<i32>} : memref<49x384xf32, #tpu.memory_space<vmem>>, vector<16xf32>,
          tpu.vector_store %arg7[%swap3A_171, %swap3A_172], %gather3A_168 {strides = array<i32>} : memref<49x384xf32, #tpu.memory_space<vmem>>, vector<16xf32>,
          %scan3A_174 = arith.constant 0 : i32
          %scan3A_175 = arith.constant 5 : i32
          %scan3A_176 = arith.addi %scan3A_126, %scan3A_175 : i32
          %broadcast_in_dim3A_177 = vector.broadcast %scan3A_176 : i32 to vector<16xi32>
          %gather3A_178 = tpu.vector_load_idx %arg5[%broadcast_in_dim3A_177, %add3A_117] : memref<49x768xf32, #tpu.memory_space<vmem>>[vector<16xi32>, vector<16xi32>], vector<16xf32>,
          %mul3A_179 = arith.constant 16 : i32
          %mul3A_180 = arith.muli %scan3A_20, %mul3A_179 : i32
          %swap3A_181 = arith.index_cast %scan3A_176 : i32 to index
          %swap3A_182 = arith.index_cast %mul3A_180 : i32 to index
          %swap3A_183 = tpu.vector_load %arg7[%swap3A_181, %swap3A_182] {strides = array<i32>} : memref<49x384xf32, #tpu.memory_space<vmem>>, vector<16xf32>,
          tpu.vector_store %arg7[%swap3A_181, %swap3A_182], %gather3A_178 {strides = array<i32>} : memref<49x384xf32, #tpu.memory_space<vmem>>, vector<16xf32>,
          %scan3A_184 = arith.constant 0 : i32
          %scan3A_185 = arith.constant 6 : i32
          %scan3A_186 = arith.addi %scan3A_126, %scan3A_185 : i32
          %broadcast_in_dim3A_187 = vector.broadcast %scan3A_186 : i32 to vector<16xi32>
          %gather3A_188 = tpu.vector_load_idx %arg5[%broadcast_in_dim3A_187, %add3A_117] : memref<49x768xf32, #tpu.memory_space<vmem>>[vector<16xi32>, vector<16xi32>], vector<16xf32>,
          %mul3A_189 = arith.constant 16 : i32
          %mul3A_190 = arith.muli %scan3A_20, %mul3A_189 : i32
          %swap3A_191 = arith.index_cast %scan3A_186 : i32 to index
          %swap3A_192 = arith.index_cast %mul3A_190 : i32 to index
          %swap3A_193 = tpu.vector_load %arg7[%swap3A_191, %swap3A_192] {strides = array<i32>} : memref<49x384xf32, #tpu.memory_space<vmem>>, vector<16xf32>,
          tpu.vector_store %arg7[%swap3A_191, %swap3A_192], %gather3A_188 {strides = array<i32>} : memref<49x384xf32, #tpu.memory_space<vmem>>, vector<16xf32>,
          %scan3A_194 = arith.constant 0 : i32
          scf.yield %scan3A_194 : i32
        }
        %scan3A_124 = arith.constant 49 : i32
        %scan3A_125 = arith.constant 0 : i32
        scf.yield %scan3A_125 : i32
      }
      %scan3A_18 = arith.constant 24 : i32
      "tpu.region"() ({
        %run_scoped3A = tpu.sem_alloc : memref<!tpu.dma_semaphore, #tpu.memory_space<semaphore_mem>>
        %dma_start3A = arith.constant 0 : i32
        %dma_start3A_20 = arith.constant 0 : i32
        %dma_start3A_21 = tpu.memref_slice %arg4[%add3A_11, %dma_start3A, %dma_start3A_20] : memref<256x49x384xf32, #tpu.memory_space<hbm>> -> memref<1x49x384xf32, #tpu.memory_space<hbm>>
        %dma_start3A_22 = tpu.memref_squeeze %dma_start3A_21 : memref<1x49x384xf32, #tpu.memory_space<hbm>> -> memref<49x384xf32, #tpu.memory_space<hbm>>
        %dma_start3A_23 = arith.constant 0 : i32
        %dma_start3A_24 = arith.constant 0 : i32
        %dma_start3A_25 = tpu.memref_slice %arg4[%add3A_11, %dma_start3A_23, %dma_start3A_24] : memref<256x49x384xf32, #tpu.memory_space<hbm>> -> memref<1x49x384xf32, #tpu.memory_space<hbm>>
        %dma_start3A_26 = tpu.memref_squeeze %dma_start3A_25 : memref<1x49x384xf32, #tpu.memory_space<hbm>> -> memref<49x384xf32, #tpu.memory_space<hbm>>
        tpu.enqueue_dma source(%arg7 : memref<49x384xf32, #tpu.memory_space<vmem>>) target(%dma_start3A_26 : memref<49x384xf32, #tpu.memory_space<hbm>>) target_semaphore(%run_scoped3A : memref<!tpu.dma_semaphore, #tpu.memory_space<semaphore_mem>>)
        %dma_wait3A = arith.constant 0 : i32
        %dma_wait3A_27 = arith.constant 0 : i32
        %dma_wait3A_28 = tpu.memref_slice %arg4[%add3A_11, %dma_wait3A, %dma_wait3A_27] : memref<256x49x384xf32, #tpu.memory_space<hbm>> -> memref<1x49x384xf32, #tpu.memory_space<hbm>>
        %dma_wait3A_29 = tpu.memref_squeeze %dma_wait3A_28 : memref<1x49x384xf32, #tpu.memory_space<hbm>> -> memref<49x384xf32, #tpu.memory_space<hbm>>
        %dma_wait3A_30 = arith.constant 0 : i32
        %dma_wait3A_31 = arith.constant 0 : i32
        %dma_wait3A_32 = tpu.memref_slice %arg4[%add3A_11, %dma_wait3A_30, %dma_wait3A_31] : memref<256x49x384xf32, #tpu.memory_space<hbm>> -> memref<1x49x384xf32, #tpu.memory_space<hbm>>
        %dma_wait3A_33 = tpu.memref_squeeze %dma_wait3A_32 : memref<1x49x384xf32, #tpu.memory_space<hbm>> -> memref<49x384xf32, #tpu.memory_space<hbm>>
        tpu.wait_dma2 semaphore(%run_scoped3A : memref<!tpu.dma_semaphore, #tpu.memory_space<semaphore_mem>>) src(%arg7 : memref<49x384xf32, #tpu.memory_space<vmem>>) dst(%dma_wait3A_33 : memref<49x384xf32, #tpu.memory_space<hbm>>)
        tpu.yield
      }) : () -> ()
      %scan3A_19 = arith.constant 0 : i32
      scf.yield %scan3A_19 : i32
    }
    %scan3A_6 = arith.constant 8 : i32
    return
  }
}

module attributes {stable_mosaic.version = 14 : i64} {
  func.func @_score_body(%arg0: i32, %arg1: memref<1x256x768xf32, #tpu.memory_space<vmem>>, %arg2: memref<1536x768xf32, #tpu.memory_space<vmem>>, %arg3: memref<1x768xf32, #tpu.memory_space<vmem>>, %arg4: memref<256x768xi32, #tpu.memory_space<vmem>>, %arg5: memref<256x768xf32, #tpu.memory_space<vmem>>, %arg6: memref<256x768xf32, #tpu.memory_space<vmem>>) attributes {dimension_semantics = [#tpu.dimension_semantics<arbitrary>], iteration_bounds = array<i64: 49>, scalar_prefetch = 0 : i64, scratch_operands = 2 : i64, tpu.core_type = #tpu.core_type<tc>, window_params = [{transform_indices = @transform_0, window_bounds = array<i64: 1, 256, 768>}, {pipeline_mode = #tpu.pipeline_mode<synchronous>, transform_indices = @transform_1, window_bounds = array<i64: 1536, 768>}, {pipeline_mode = #tpu.pipeline_mode<synchronous>, transform_indices = @transform_2, window_bounds = array<i64: 1, 768>}, {pipeline_mode = #tpu.pipeline_mode<synchronous>, transform_indices = @transform_3, window_bounds = array<i64: 256, 768>}]} {
    %get3A = arith.constant 0 : index
    %get3A_0 = arith.constant 0 : index
    %get3A_1 = arith.constant 0 : index
    %get3A_2 = vector.load %arg1[%get3A, %get3A_0, %get3A_1] : memref<1x256x768xf32, #tpu.memory_space<vmem>>, vector<1x256x768xf32>
    %reshape3A = vector.shape_cast %get3A_2 : vector<1x256x768xf32> to vector<256x768xf32>
    %eq3A = arith.constant 0 : i32
    %eq3A_3 = arith.cmpi eq, %arg0, %eq3A : i32
    %convert_element_type3A = arith.extui %eq3A_3 : i1 to i32
    %cond3A = arith.constant 0 : i32
    %cond3A_4 = arith.cmpi ne, %convert_element_type3A, %cond3A : i32
    scf.if %cond3A_4 {
      %swap3A = arith.constant 0 : index
      %swap3A_14 = arith.constant 0 : index
      %swap3A_15 = vector.load %arg5[%swap3A, %swap3A_14] : memref<256x768xf32, #tpu.memory_space<vmem>>, vector<256x768xf32>
      tpu.vector_store %arg5[%swap3A, %swap3A_14], %reshape3A {strides = array<i32>} : memref<256x768xf32, #tpu.memory_space<vmem>>, vector<256x768xf32>,
      %swap3A_16 = arith.constant 0 : index
      %swap3A_17 = arith.constant 0 : index
      %swap3A_18 = vector.load %arg6[%swap3A_16, %swap3A_17] : memref<256x768xf32, #tpu.memory_space<vmem>>, vector<256x768xf32>
      tpu.vector_store %arg6[%swap3A_16, %swap3A_17], %reshape3A {strides = array<i32>} : memref<256x768xf32, #tpu.memory_space<vmem>>, vector<256x768xf32>,
    } else {
    }
    %gt3A = arith.constant 0 : i32
    %gt3A_5 = arith.cmpi sgt, %arg0, %gt3A : i32
    %convert_element_type3A_6 = arith.extui %gt3A_5 : i1 to i32
    %cond3A_7 = arith.constant 0 : i32
    %cond3A_8 = arith.cmpi ne, %convert_element_type3A_6, %cond3A_7 : i32
    scf.if %cond3A_8 {
      %get3A_14 = arith.constant 0 : index
      %get3A_15 = arith.constant 0 : index
      %get3A_16 = vector.load %arg5[%get3A_14, %get3A_15] : memref<256x768xf32, #tpu.memory_space<vmem>>, vector<256x768xf32>
      %add3A = arith.addf %get3A_16, %reshape3A : vector<256x768xf32>
      %swap3A = arith.constant 0 : index
      %swap3A_17 = arith.constant 0 : index
      %swap3A_18 = vector.load %arg5[%swap3A, %swap3A_17] : memref<256x768xf32, #tpu.memory_space<vmem>>, vector<256x768xf32>
      tpu.vector_store %arg5[%swap3A, %swap3A_17], %add3A {strides = array<i32>} : memref<256x768xf32, #tpu.memory_space<vmem>>, vector<256x768xf32>,
      %get3A_19 = arith.constant 0 : index
      %get3A_20 = arith.constant 0 : index
      %get3A_21 = vector.load %arg6[%get3A_19, %get3A_20] : memref<256x768xf32, #tpu.memory_space<vmem>>, vector<256x768xf32>
      %max3A = arith.maximumf %get3A_21, %reshape3A : vector<256x768xf32>
      %swap3A_22 = arith.constant 0 : index
      %swap3A_23 = arith.constant 0 : index
      %swap3A_24 = vector.load %arg6[%swap3A_22, %swap3A_23] : memref<256x768xf32, #tpu.memory_space<vmem>>, vector<256x768xf32>
      tpu.vector_store %arg6[%swap3A_22, %swap3A_23], %max3A {strides = array<i32>} : memref<256x768xf32, #tpu.memory_space<vmem>>, vector<256x768xf32>,
    } else {
    }
    %eq3A_9 = arith.constant 48 : i32
    %eq3A_10 = arith.cmpi eq, %arg0, %eq3A_9 : i32
    %convert_element_type3A_11 = arith.extui %eq3A_10 : i1 to i32
    %cond3A_12 = arith.constant 0 : i32
    %cond3A_13 = arith.cmpi ne, %convert_element_type3A_11, %cond3A_12 : i32
    scf.if %cond3A_13 {
      %get3A_14 = arith.constant 0 : index
      %get3A_15 = arith.constant 0 : index
      %get3A_16 = vector.load %arg5[%get3A_14, %get3A_15] : memref<256x768xf32, #tpu.memory_space<vmem>>, vector<256x768xf32>
      %mul3A = arith.constant 0.0204081628 : f32
      %mul3A_17 = vector.broadcast %mul3A : f32 to vector<256x768xf32>
      %mul3A_18 = arith.mulf %get3A_16, %mul3A_17 : vector<256x768xf32>
      %convert_element_type3A_19 = arith.truncf %mul3A_18 : vector<256x768xf32> to vector<256x768xbf16>
      %get3A_20 = arith.constant 0 : index
      %get3A_21 = arith.constant 0 : index
      %get3A_22 = vector.load %arg6[%get3A_20, %get3A_21] : memref<256x768xf32, #tpu.memory_space<vmem>>, vector<256x768xf32>
      %convert_element_type3A_23 = arith.truncf %get3A_22 : vector<256x768xf32> to vector<256x768xbf16>
      %concatenate3A = tpu.concatenate %convert_element_type3A_19, %convert_element_type3A_23 in 1 : vector<256x768xbf16>, vector<256x768xbf16> -> vector<256x1536xbf16>
      %get3A_24 = arith.constant 0 : index
      %get3A_25 = arith.constant 0 : index
      %get3A_26 = vector.load %arg2[%get3A_24, %get3A_25] : memref<1536x768xf32, #tpu.memory_space<vmem>>, vector<1536x768xf32>
      %dot_general3A = arith.constant dense<0.000000e+00> : vector<256x768xf32>
      %dot_general3A_27 = tpu.matmul %concatenate3A, %get3A_26, %dot_general3A {dimension_numbers = #tpu.dot_dimension_numbers<[1], [0], [0], [1], [0, 0, 1, 1], [], []>, transpose_lhs_hint = false} : vector<256x1536xbf16>, vector<1536x768xf32>, vector<256x768xf32> -> vector<256x768xf32>
      %get3A_28 = arith.constant 0 : index
      %get3A_29 = arith.constant 0 : index
      %get3A_30 = vector.load %arg3[%get3A_28, %get3A_29] : memref<1x768xf32, #tpu.memory_space<vmem>>, vector<1x768xf32>
      %add3A = vector.broadcast %get3A_30 : vector<1x768xf32> to vector<256x768xf32>
      %add3A_31 = arith.addf %dot_general3A_27, %add3A : vector<256x768xf32>
      %mul3A_32 = arith.constant 5.000000e-01 : f32
      %mul3A_33 = vector.broadcast %mul3A_32 : f32 to vector<256x768xf32>
      %mul3A_34 = arith.mulf %add3A_31, %mul3A_33 : vector<256x768xf32>
      %neg3A = arith.constant 0.000000e+00 : f32
      %neg3A_35 = vector.broadcast %neg3A : f32 to vector<256x768xf32>
      %neg3A_36 = arith.subf %neg3A_35, %add3A_31 : vector<256x768xf32>
      %mul3A_37 = arith.constant 0.707106769 : f32
      %mul3A_38 = vector.broadcast %mul3A_37 : f32 to vector<256x768xf32>
      %mul3A_39 = arith.mulf %neg3A_36, %mul3A_38 : vector<256x768xf32>
      %mul3A_40 = arith.mulf %mul3A_39, %mul3A_39 : vector<256x768xf32>
      %abs3A = math.absf %mul3A_39 : vector<256x768xf32>
      %mul3A_41 = arith.constant 7.85386146E-5 : f32
      %mul3A_42 = vector.broadcast %mul3A_41 : f32 to vector<256x768xf32>
      %mul3A_43 = arith.mulf %mul3A_40, %mul3A_42 : vector<256x768xf32>
      %add3A_44 = arith.constant -8.0101937E-4 : f32
      %add3A_45 = vector.broadcast %add3A_44 : f32 to vector<256x768xf32>
      %add3A_46 = arith.addf %mul3A_43, %add3A_45 : vector<256x768xf32>
      %mul3A_47 = arith.mulf %add3A_46, %mul3A_40 : vector<256x768xf32>
      %add3A_48 = arith.constant 0.00518832775 : f32
      %add3A_49 = vector.broadcast %add3A_48 : f32 to vector<256x768xf32>
      %add3A_50 = arith.addf %mul3A_47, %add3A_49 : vector<256x768xf32>
      %mul3A_51 = arith.mulf %add3A_50, %mul3A_40 : vector<256x768xf32>
      %add3A_52 = arith.constant -0.0268538129 : f32
      %add3A_53 = vector.broadcast %add3A_52 : f32 to vector<256x768xf32>
      %add3A_54 = arith.addf %mul3A_51, %add3A_53 : vector<256x768xf32>
      %mul3A_55 = arith.mulf %add3A_54, %mul3A_40 : vector<256x768xf32>
      %add3A_56 = arith.constant 0.112835854 : f32
      %add3A_57 = vector.broadcast %add3A_56 : f32 to vector<256x768xf32>
      %add3A_58 = arith.addf %mul3A_55, %add3A_57 : vector<256x768xf32>
      %mul3A_59 = arith.mulf %add3A_58, %mul3A_40 : vector<256x768xf32>
      %add3A_60 = arith.constant -0.37612626 : f32
      %add3A_61 = vector.broadcast %add3A_60 : f32 to vector<256x768xf32>
      %add3A_62 = arith.addf %mul3A_59, %add3A_61 : vector<256x768xf32>
      %mul3A_63 = arith.mulf %add3A_62, %mul3A_40 : vector<256x768xf32>
      %add3A_64 = arith.constant 1.12837911 : f32
      %add3A_65 = vector.broadcast %add3A_64 : f32 to vector<256x768xf32>
      %add3A_66 = arith.addf %mul3A_63, %add3A_65 : vector<256x768xf32>
      %mul3A_67 = arith.mulf %mul3A_39, %add3A_66 : vector<256x768xf32>
      %sub3A = arith.constant 1.000000e+00 : f32
      %sub3A_68 = vector.broadcast %sub3A : f32 to vector<256x768xf32>
      %sub3A_69 = arith.subf %sub3A_68, %mul3A_67 : vector<256x768xf32>
      %neg3A_70 = arith.constant 0.000000e+00 : f32
      %neg3A_71 = vector.broadcast %neg3A_70 : f32 to vector<256x768xf32>
      %neg3A_72 = arith.subf %neg3A_71, %mul3A_40 : vector<256x768xf32>
      %exp3A = math.exp %neg3A_72 : vector<256x768xf32>
      %div3A = arith.constant 1.000000e+00 : f32
      %div3A_73 = vector.broadcast %div3A : f32 to vector<256x768xf32>
      %div3A_74 = arith.divf %div3A_73, %abs3A : vector<256x768xf32>
      %mul3A_75 = arith.mulf %exp3A, %div3A_74 : vector<256x768xf32>
      %div3A_76 = arith.constant 1.000000e+00 : f32
      %div3A_77 = vector.broadcast %div3A_76 : f32 to vector<256x768xf32>
      %div3A_78 = arith.divf %div3A_77, %mul3A_40 : vector<256x768xf32>
      %mul3A_79 = arith.constant 2.326820e-02 : f32
      %mul3A_80 = vector.broadcast %mul3A_79 : f32 to vector<256x768xf32>
      %mul3A_81 = arith.mulf %div3A_78, %mul3A_80 : vector<256x768xf32>
      %add3A_82 = arith.constant -0.138703942 : f32
      %add3A_83 = vector.broadcast %add3A_82 : f32 to vector<256x768xf32>
      %add3A_84 = arith.addf %mul3A_81, %add3A_83 : vector<256x768xf32>
      %mul3A_85 = arith.mulf %add3A_84, %div3A_78 : vector<256x768xf32>
      %add3A_86 = arith.constant 0.368742466 : f32
      %add3A_87 = vector.broadcast %add3A_86 : f32 to vector<256x768xf32>
      %add3A_88 = arith.addf %mul3A_85, %add3A_87 : vector<256x768xf32>
      %mul3A_89 = arith.mulf %add3A_88, %div3A_78 : vector<256x768xf32>
      %add3A_90 = arith.constant -0.582473278 : f32
      %add3A_91 = vector.broadcast %add3A_90 : f32 to vector<256x768xf32>
      %add3A_92 = arith.addf %mul3A_89, %add3A_91 : vector<256x768xf32>
      %mul3A_93 = arith.mulf %add3A_92, %div3A_78 : vector<256x768xf32>
      %add3A_94 = arith.constant 0.621000468 : f32
      %add3A_95 = vector.broadcast %add3A_94 : f32 to vector<256x768xf32>
      %add3A_96 = arith.addf %mul3A_93, %add3A_95 : vector<256x768xf32>
      %mul3A_97 = arith.mulf %add3A_96, %div3A_78 : vector<256x768xf32>
      %add3A_98 = arith.constant -0.494451523 : f32
      %add3A_99 = vector.broadcast %add3A_98 : f32 to vector<256x768xf32>
      %add3A_100 = arith.addf %mul3A_97, %add3A_99 : vector<256x768xf32>
      %mul3A_101 = arith.mulf %add3A_100, %div3A_78 : vector<256x768xf32>
      %add3A_102 = arith.constant 3.404880e-01 : f32
      %add3A_103 = vector.broadcast %add3A_102 : f32 to vector<256x768xf32>
      %add3A_104 = arith.addf %mul3A_101, %add3A_103 : vector<256x768xf32>
      %mul3A_105 = arith.mulf %add3A_104, %div3A_78 : vector<256x768xf32>
      %add3A_106 = arith.constant -0.274112701 : f32
      %add3A_107 = vector.broadcast %add3A_106 : f32 to vector<256x768xf32>
      %add3A_108 = arith.addf %mul3A_105, %add3A_107 : vector<256x768xf32>
      %mul3A_109 = arith.mulf %add3A_108, %div3A_78 : vector<256x768xf32>
      %add3A_110 = arith.constant 0.563825965 : f32
      %add3A_111 = vector.broadcast %add3A_110 : f32 to vector<256x768xf32>
      %add3A_112 = arith.addf %mul3A_109, %add3A_111 : vector<256x768xf32>
      %mul3A_113 = arith.constant -10.477664 : f32
      %mul3A_114 = vector.broadcast %mul3A_113 : f32 to vector<256x768xf32>
      %mul3A_115 = arith.mulf %div3A_78, %mul3A_114 : vector<256x768xf32>
      %add3A_116 = arith.constant 1.297720e+01 : f32
      %add3A_117 = vector.broadcast %add3A_116 : f32 to vector<256x768xf32>
      %add3A_118 = arith.addf %mul3A_115, %add3A_117 : vector<256x768xf32>
      %mul3A_119 = arith.mulf %add3A_118, %div3A_78 : vector<256x768xf32>
      %add3A_120 = arith.constant -7.49551868 : f32
      %add3A_121 = vector.broadcast %add3A_120 : f32 to vector<256x768xf32>
      %add3A_122 = arith.addf %mul3A_119, %add3A_121 : vector<256x768xf32>
      %mul3A_123 = arith.mulf %add3A_122, %div3A_78 : vector<256x768xf32>
      %add3A_124 = arith.constant 2.92101908 : f32
      %add3A_125 = vector.broadcast %add3A_124 : f32 to vector<256x768xf32>
      %add3A_126 = arith.addf %mul3A_123, %add3A_125 : vector<256x768xf32>
      %mul3A_127 = arith.mulf %add3A_126, %div3A_78 : vector<256x768xf32>
      %add3A_128 = arith.constant -1.01526523 : f32
      %add3A_129 = vector.broadcast %add3A_128 : f32 to vector<256x768xf32>
      %add3A_130 = arith.addf %mul3A_127, %add3A_129 : vector<256x768xf32>
      %mul3A_131 = arith.mulf %add3A_130, %div3A_78 : vector<256x768xf32>
      %add3A_132 = arith.constant 0.42184633 : f32
      %add3A_133 = vector.broadcast %add3A_132 : f32 to vector<256x768xf32>
      %add3A_134 = arith.addf %mul3A_131, %add3A_133 : vector<256x768xf32>
      %mul3A_135 = arith.mulf %add3A_134, %div3A_78 : vector<256x768xf32>
      %add3A_136 = arith.constant -0.282076746 : f32
      %add3A_137 = vector.broadcast %add3A_136 : f32 to vector<256x768xf32>
      %add3A_138 = arith.addf %mul3A_135, %add3A_137 : vector<256x768xf32>
      %mul3A_139 = arith.mulf %add3A_138, %div3A_78 : vector<256x768xf32>
      %add3A_140 = arith.constant 0.564189494 : f32
      %add3A_141 = vector.broadcast %add3A_140 : f32 to vector<256x768xf32>
      %add3A_142 = arith.addf %mul3A_139, %add3A_141 : vector<256x768xf32>
      %lt3A = arith.constant 2.000000e+00 : f32
      %lt3A_143 = vector.broadcast %lt3A : f32 to vector<256x768xf32>
      %lt3A_144 = arith.cmpf olt, %abs3A, %lt3A_143 : vector<256x768xf32>
      %select_n3A = arith.select %lt3A_144, %add3A_112, %add3A_142 : vector<256x768xi1>, vector<256x768xf32>
      %mul3A_145 = arith.mulf %mul3A_75, %select_n3A : vector<256x768xf32>
      %neg3A_146 = arith.constant 0.000000e+00 : f32
      %neg3A_147 = vector.broadcast %neg3A_146 : f32 to vector<256x768xf32>
      %neg3A_148 = arith.subf %neg3A_147, %mul3A_40 : vector<256x768xf32>
      %lt3A_149 = arith.constant -88.7228394 : f32
      %lt3A_150 = vector.broadcast %lt3A_149 : f32 to vector<256x768xf32>
      %lt3A_151 = arith.cmpf olt, %neg3A_148, %lt3A_150 : vector<256x768xf32>
      %jit3A = arith.constant 0.000000e+00 : f32
      %broadcast_in_dim3A = vector.broadcast %jit3A : f32 to vector<256x768xf32>
      %select_n3A_152 = arith.select %lt3A_151, %broadcast_in_dim3A, %mul3A_145 : vector<256x768xi1>, vector<256x768xf32>
      %lt3A_153 = arith.constant 0.000000e+00 : f32
      %lt3A_154 = vector.broadcast %lt3A_153 : f32 to vector<256x768xf32>
      %lt3A_155 = arith.cmpf olt, %mul3A_39, %lt3A_154 : vector<256x768xf32>
      %sub3A_156 = arith.constant 2.000000e+00 : f32
      %sub3A_157 = vector.broadcast %sub3A_156 : f32 to vector<256x768xf32>
      %sub3A_158 = arith.subf %sub3A_157, %select_n3A_152 : vector<256x768xf32>
      %select_n3A_159 = arith.select %lt3A_155, %sub3A_158, %select_n3A_152 : vector<256x768xi1>, vector<256x768xf32>
      %lt3A_160 = arith.constant 1.000000e+00 : f32
      %lt3A_161 = vector.broadcast %lt3A_160 : f32 to vector<256x768xf32>
      %lt3A_162 = arith.cmpf olt, %abs3A, %lt3A_161 : vector<256x768xf32>
      %select_n3A_163 = arith.select %lt3A_162, %sub3A_69, %select_n3A_159 : vector<256x768xi1>, vector<256x768xf32>
      %mul3A_164 = arith.mulf %mul3A_34, %select_n3A_163 : vector<256x768xf32>
      %reduce_max3A = arith.constant dense<0xFF800000> : vector<256xf32>
      %reduce_max3A_165 = vector.multi_reduction <maximumf>, %mul3A_164, %reduce_max3A [1] : vector<256x768xf32> to vector<256xf32>
      %broadcast_in_dim3A_166 = vector.shape_cast %reduce_max3A_165 : vector<256xf32> to vector<256x1xf32>
      %sub3A_167 = vector.broadcast %broadcast_in_dim3A_166 : vector<256x1xf32> to vector<256x768xf32>
      %sub3A_168 = arith.subf %mul3A_164, %sub3A_167 : vector<256x768xf32>
      %exp3A_169 = math.exp %sub3A_168 : vector<256x768xf32>
      %reduce_sum3A = arith.constant dense<0.000000e+00> : vector<256xf32>
      %reduce_sum3A_170 = vector.multi_reduction <add>, %exp3A_169, %reduce_sum3A [1] : vector<256x768xf32> to vector<256xf32>
      %broadcast_in_dim3A_171 = vector.shape_cast %reduce_sum3A_170 : vector<256xf32> to vector<256x1xf32>
      %div3A_172 = vector.broadcast %broadcast_in_dim3A_171 : vector<256x1xf32> to vector<256x768xf32>
      %div3A_173 = arith.divf %exp3A_169, %div3A_172 : vector<256x768xf32>
      %bitcast_convert_type3A = tpu.bitcast %div3A_173 : vector<256x768xf32> -> vector<256x768xi32>
      %broadcast_in_dim3A_174 = arith.constant 0 : i32
      %broadcast_in_dim3A_175 = vector.broadcast %broadcast_in_dim3A_174 : i32 to vector<256x1xi32>
      %or3A = arith.constant 1073741824 : i32
      %or3A_176 = vector.broadcast %or3A : i32 to vector<256x1xi32>
      %or3A_177 = arith.ori %broadcast_in_dim3A_175, %or3A_176 : vector<256x1xi32>
      %ge3A = vector.broadcast %or3A_177 : vector<256x1xi32> to vector<256x768xi32>
      %ge3A_178 = arith.cmpi sge, %bitcast_convert_type3A, %ge3A : vector<256x768xi32>
      %convert_element_type3A_179 = arith.extui %ge3A_178 : vector<256x768xi1> to vector<256x768xi32>
      %reduce_sum3A_180 = arith.constant dense<0> : vector<256xi32>
      %reduce_sum3A_181 = vector.multi_reduction <add>, %convert_element_type3A_179, %reduce_sum3A_180 [1] : vector<256x768xi32> to vector<256xi32>
      %broadcast_in_dim3A_182 = vector.shape_cast %reduce_sum3A_181 : vector<256xi32> to vector<256x1xi32>
      %ge3A_183 = arith.constant 384 : i32
      %ge3A_184 = vector.broadcast %ge3A_183 : i32 to vector<256x1xi32>
      %ge3A_185 = arith.cmpi sge, %broadcast_in_dim3A_182, %ge3A_184 : vector<256x1xi32>
      %select_n3A_186 = arith.select %ge3A_185, %or3A_177, %broadcast_in_dim3A_175 : vector<256x1xi1>, vector<256x1xi32>
      %or3A_187 = arith.constant 536870912 : i32
      %or3A_188 = vector.broadcast %or3A_187 : i32 to vector<256x1xi32>
      %or3A_189 = arith.ori %select_n3A_186, %or3A_188 : vector<256x1xi32>
      %ge3A_190 = vector.broadcast %or3A_189 : vector<256x1xi32> to vector<256x768xi32>
      %ge3A_191 = arith.cmpi sge, %bitcast_convert_type3A, %ge3A_190 : vector<256x768xi32>
      %convert_element_type3A_192 = arith.extui %ge3A_191 : vector<256x768xi1> to vector<256x768xi32>
      %reduce_sum3A_193 = arith.constant dense<0> : vector<256xi32>
      %reduce_sum3A_194 = vector.multi_reduction <add>, %convert_element_type3A_192, %reduce_sum3A_193 [1] : vector<256x768xi32> to vector<256xi32>
      %broadcast_in_dim3A_195 = vector.shape_cast %reduce_sum3A_194 : vector<256xi32> to vector<256x1xi32>
      %ge3A_196 = arith.constant 384 : i32
      %ge3A_197 = vector.broadcast %ge3A_196 : i32 to vector<256x1xi32>
      %ge3A_198 = arith.cmpi sge, %broadcast_in_dim3A_195, %ge3A_197 : vector<256x1xi32>
      %select_n3A_199 = arith.select %ge3A_198, %or3A_189, %select_n3A_186 : vector<256x1xi1>, vector<256x1xi32>
      %or3A_200 = arith.constant 268435456 : i32
      %or3A_201 = vector.broadcast %or3A_200 : i32 to vector<256x1xi32>
      %or3A_202 = arith.ori %select_n3A_199, %or3A_201 : vector<256x1xi32>
      %ge3A_203 = vector.broadcast %or3A_202 : vector<256x1xi32> to vector<256x768xi32>
      %ge3A_204 = arith.cmpi sge, %bitcast_convert_type3A, %ge3A_203 : vector<256x768xi32>
      %convert_element_type3A_205 = arith.extui %ge3A_204 : vector<256x768xi1> to vector<256x768xi32>
      %reduce_sum3A_206 = arith.constant dense<0> : vector<256xi32>
      %reduce_sum3A_207 = vector.multi_reduction <add>, %convert_element_type3A_205, %reduce_sum3A_206 [1] : vector<256x768xi32> to vector<256xi32>
      %broadcast_in_dim3A_208 = vector.shape_cast %reduce_sum3A_207 : vector<256xi32> to vector<256x1xi32>
      %ge3A_209 = arith.constant 384 : i32
      %ge3A_210 = vector.broadcast %ge3A_209 : i32 to vector<256x1xi32>
      %ge3A_211 = arith.cmpi sge, %broadcast_in_dim3A_208, %ge3A_210 : vector<256x1xi32>
      %select_n3A_212 = arith.select %ge3A_211, %or3A_202, %select_n3A_199 : vector<256x1xi1>, vector<256x1xi32>
      %or3A_213 = arith.constant 134217728 : i32
      %or3A_214 = vector.broadcast %or3A_213 : i32 to vector<256x1xi32>
      %or3A_215 = arith.ori %select_n3A_212, %or3A_214 : vector<256x1xi32>
      %ge3A_216 = vector.broadcast %or3A_215 : vector<256x1xi32> to vector<256x768xi32>
      %ge3A_217 = arith.cmpi sge, %bitcast_convert_type3A, %ge3A_216 : vector<256x768xi32>
      %convert_element_type3A_218 = arith.extui %ge3A_217 : vector<256x768xi1> to vector<256x768xi32>
      %reduce_sum3A_219 = arith.constant dense<0> : vector<256xi32>
      %reduce_sum3A_220 = vector.multi_reduction <add>, %convert_element_type3A_218, %reduce_sum3A_219 [1] : vector<256x768xi32> to vector<256xi32>
      %broadcast_in_dim3A_221 = vector.shape_cast %reduce_sum3A_220 : vector<256xi32> to vector<256x1xi32>
      %ge3A_222 = arith.constant 384 : i32
      %ge3A_223 = vector.broadcast %ge3A_222 : i32 to vector<256x1xi32>
      %ge3A_224 = arith.cmpi sge, %broadcast_in_dim3A_221, %ge3A_223 : vector<256x1xi32>
      %select_n3A_225 = arith.select %ge3A_224, %or3A_215, %select_n3A_212 : vector<256x1xi1>, vector<256x1xi32>
      %or3A_226 = arith.constant 67108864 : i32
      %or3A_227 = vector.broadcast %or3A_226 : i32 to vector<256x1xi32>
      %or3A_228 = arith.ori %select_n3A_225, %or3A_227 : vector<256x1xi32>
      %ge3A_229 = vector.broadcast %or3A_228 : vector<256x1xi32> to vector<256x768xi32>
      %ge3A_230 = arith.cmpi sge, %bitcast_convert_type3A, %ge3A_229 : vector<256x768xi32>
      %convert_element_type3A_231 = arith.extui %ge3A_230 : vector<256x768xi1> to vector<256x768xi32>
      %reduce_sum3A_232 = arith.constant dense<0> : vector<256xi32>
      %reduce_sum3A_233 = vector.multi_reduction <add>, %convert_element_type3A_231, %reduce_sum3A_232 [1] : vector<256x768xi32> to vector<256xi32>
      %broadcast_in_dim3A_234 = vector.shape_cast %reduce_sum3A_233 : vector<256xi32> to vector<256x1xi32>
      %ge3A_235 = arith.constant 384 : i32
      %ge3A_236 = vector.broadcast %ge3A_235 : i32 to vector<256x1xi32>
      %ge3A_237 = arith.cmpi sge, %broadcast_in_dim3A_234, %ge3A_236 : vector<256x1xi32>
      %select_n3A_238 = arith.select %ge3A_237, %or3A_228, %select_n3A_225 : vector<256x1xi1>, vector<256x1xi32>
      %or3A_239 = arith.constant 33554432 : i32
      %or3A_240 = vector.broadcast %or3A_239 : i32 to vector<256x1xi32>
      %or3A_241 = arith.ori %select_n3A_238, %or3A_240 : vector<256x1xi32>
      %ge3A_242 = vector.broadcast %or3A_241 : vector<256x1xi32> to vector<256x768xi32>
      %ge3A_243 = arith.cmpi sge, %bitcast_convert_type3A, %ge3A_242 : vector<256x768xi32>
      %convert_element_type3A_244 = arith.extui %ge3A_243 : vector<256x768xi1> to vector<256x768xi32>
      %reduce_sum3A_245 = arith.constant dense<0> : vector<256xi32>
      %reduce_sum3A_246 = vector.multi_reduction <add>, %convert_element_type3A_244, %reduce_sum3A_245 [1] : vector<256x768xi32> to vector<256xi32>
      %broadcast_in_dim3A_247 = vector.shape_cast %reduce_sum3A_246 : vector<256xi32> to vector<256x1xi32>
      %ge3A_248 = arith.constant 384 : i32
      %ge3A_249 = vector.broadcast %ge3A_248 : i32 to vector<256x1xi32>
      %ge3A_250 = arith.cmpi sge, %broadcast_in_dim3A_247, %ge3A_249 : vector<256x1xi32>
      %select_n3A_251 = arith.select %ge3A_250, %or3A_241, %select_n3A_238 : vector<256x1xi1>, vector<256x1xi32>
      %or3A_252 = arith.constant 16777216 : i32
      %or3A_253 = vector.broadcast %or3A_252 : i32 to vector<256x1xi32>
      %or3A_254 = arith.ori %select_n3A_251, %or3A_253 : vector<256x1xi32>
      %ge3A_255 = vector.broadcast %or3A_254 : vector<256x1xi32> to vector<256x768xi32>
      %ge3A_256 = arith.cmpi sge, %bitcast_convert_type3A, %ge3A_255 : vector<256x768xi32>
      %convert_element_type3A_257 = arith.extui %ge3A_256 : vector<256x768xi1> to vector<256x768xi32>
      %reduce_sum3A_258 = arith.constant dense<0> : vector<256xi32>
      %reduce_sum3A_259 = vector.multi_reduction <add>, %convert_element_type3A_257, %reduce_sum3A_258 [1] : vector<256x768xi32> to vector<256xi32>
      %broadcast_in_dim3A_260 = vector.shape_cast %reduce_sum3A_259 : vector<256xi32> to vector<256x1xi32>
      %ge3A_261 = arith.constant 384 : i32
      %ge3A_262 = vector.broadcast %ge3A_261 : i32 to vector<256x1xi32>
      %ge3A_263 = arith.cmpi sge, %broadcast_in_dim3A_260, %ge3A_262 : vector<256x1xi32>
      %select_n3A_264 = arith.select %ge3A_263, %or3A_254, %select_n3A_251 : vector<256x1xi1>, vector<256x1xi32>
      %or3A_265 = arith.constant 8388608 : i32
      %or3A_266 = vector.broadcast %or3A_265 : i32 to vector<256x1xi32>
      %or3A_267 = arith.ori %select_n3A_264, %or3A_266 : vector<256x1xi32>
      %ge3A_268 = vector.broadcast %or3A_267 : vector<256x1xi32> to vector<256x768xi32>
      %ge3A_269 = arith.cmpi sge, %bitcast_convert_type3A, %ge3A_268 : vector<256x768xi32>
      %convert_element_type3A_270 = arith.extui %ge3A_269 : vector<256x768xi1> to vector<256x768xi32>
      %reduce_sum3A_271 = arith.constant dense<0> : vector<256xi32>
      %reduce_sum3A_272 = vector.multi_reduction <add>, %convert_element_type3A_270, %reduce_sum3A_271 [1] : vector<256x768xi32> to vector<256xi32>
      %broadcast_in_dim3A_273 = vector.shape_cast %reduce_sum3A_272 : vector<256xi32> to vector<256x1xi32>
      %ge3A_274 = arith.constant 384 : i32
      %ge3A_275 = vector.broadcast %ge3A_274 : i32 to vector<256x1xi32>
      %ge3A_276 = arith.cmpi sge, %broadcast_in_dim3A_273, %ge3A_275 : vector<256x1xi32>
      %select_n3A_277 = arith.select %ge3A_276, %or3A_267, %select_n3A_264 : vector<256x1xi1>, vector<256x1xi32>
      %or3A_278 = arith.constant 4194304 : i32
      %or3A_279 = vector.broadcast %or3A_278 : i32 to vector<256x1xi32>
      %or3A_280 = arith.ori %select_n3A_277, %or3A_279 : vector<256x1xi32>
      %ge3A_281 = vector.broadcast %or3A_280 : vector<256x1xi32> to vector<256x768xi32>
      %ge3A_282 = arith.cmpi sge, %bitcast_convert_type3A, %ge3A_281 : vector<256x768xi32>
      %convert_element_type3A_283 = arith.extui %ge3A_282 : vector<256x768xi1> to vector<256x768xi32>
      %reduce_sum3A_284 = arith.constant dense<0> : vector<256xi32>
      %reduce_sum3A_285 = vector.multi_reduction <add>, %convert_element_type3A_283, %reduce_sum3A_284 [1] : vector<256x768xi32> to vector<256xi32>
      %broadcast_in_dim3A_286 = vector.shape_cast %reduce_sum3A_285 : vector<256xi32> to vector<256x1xi32>
      %ge3A_287 = arith.constant 384 : i32
      %ge3A_288 = vector.broadcast %ge3A_287 : i32 to vector<256x1xi32>
      %ge3A_289 = arith.cmpi sge, %broadcast_in_dim3A_286, %ge3A_288 : vector<256x1xi32>
      %select_n3A_290 = arith.select %ge3A_289, %or3A_280, %select_n3A_277 : vector<256x1xi1>, vector<256x1xi32>
      %or3A_291 = arith.constant 2097152 : i32
      %or3A_292 = vector.broadcast %or3A_291 : i32 to vector<256x1xi32>
      %or3A_293 = arith.ori %select_n3A_290, %or3A_292 : vector<256x1xi32>
      %ge3A_294 = vector.broadcast %or3A_293 : vector<256x1xi32> to vector<256x768xi32>
      %ge3A_295 = arith.cmpi sge, %bitcast_convert_type3A, %ge3A_294 : vector<256x768xi32>
      %convert_element_type3A_296 = arith.extui %ge3A_295 : vector<256x768xi1> to vector<256x768xi32>
      %reduce_sum3A_297 = arith.constant dense<0> : vector<256xi32>
      %reduce_sum3A_298 = vector.multi_reduction <add>, %convert_element_type3A_296, %reduce_sum3A_297 [1] : vector<256x768xi32> to vector<256xi32>
      %broadcast_in_dim3A_299 = vector.shape_cast %reduce_sum3A_298 : vector<256xi32> to vector<256x1xi32>
      %ge3A_300 = arith.constant 384 : i32
      %ge3A_301 = vector.broadcast %ge3A_300 : i32 to vector<256x1xi32>
      %ge3A_302 = arith.cmpi sge, %broadcast_in_dim3A_299, %ge3A_301 : vector<256x1xi32>
      %select_n3A_303 = arith.select %ge3A_302, %or3A_293, %select_n3A_290 : vector<256x1xi1>, vector<256x1xi32>
      %or3A_304 = arith.constant 1048576 : i32
      %or3A_305 = vector.broadcast %or3A_304 : i32 to vector<256x1xi32>
      %or3A_306 = arith.ori %select_n3A_303, %or3A_305 : vector<256x1xi32>
      %ge3A_307 = vector.broadcast %or3A_306 : vector<256x1xi32> to vector<256x768xi32>
      %ge3A_308 = arith.cmpi sge, %bitcast_convert_type3A, %ge3A_307 : vector<256x768xi32>
      %convert_element_type3A_309 = arith.extui %ge3A_308 : vector<256x768xi1> to vector<256x768xi32>
      %reduce_sum3A_310 = arith.constant dense<0> : vector<256xi32>
      %reduce_sum3A_311 = vector.multi_reduction <add>, %convert_element_type3A_309, %reduce_sum3A_310 [1] : vector<256x768xi32> to vector<256xi32>
      %broadcast_in_dim3A_312 = vector.shape_cast %reduce_sum3A_311 : vector<256xi32> to vector<256x1xi32>
      %ge3A_313 = arith.constant 384 : i32
      %ge3A_314 = vector.broadcast %ge3A_313 : i32 to vector<256x1xi32>
      %ge3A_315 = arith.cmpi sge, %broadcast_in_dim3A_312, %ge3A_314 : vector<256x1xi32>
      %select_n3A_316 = arith.select %ge3A_315, %or3A_306, %select_n3A_303 : vector<256x1xi1>, vector<256x1xi32>
      %or3A_317 = arith.constant 524288 : i32
      %or3A_318 = vector.broadcast %or3A_317 : i32 to vector<256x1xi32>
      %or3A_319 = arith.ori %select_n3A_316, %or3A_318 : vector<256x1xi32>
      %ge3A_320 = vector.broadcast %or3A_319 : vector<256x1xi32> to vector<256x768xi32>
      %ge3A_321 = arith.cmpi sge, %bitcast_convert_type3A, %ge3A_320 : vector<256x768xi32>
      %convert_element_type3A_322 = arith.extui %ge3A_321 : vector<256x768xi1> to vector<256x768xi32>
      %reduce_sum3A_323 = arith.constant dense<0> : vector<256xi32>
      %reduce_sum3A_324 = vector.multi_reduction <add>, %convert_element_type3A_322, %reduce_sum3A_323 [1] : vector<256x768xi32> to vector<256xi32>
      %broadcast_in_dim3A_325 = vector.shape_cast %reduce_sum3A_324 : vector<256xi32> to vector<256x1xi32>
      %ge3A_326 = arith.constant 384 : i32
      %ge3A_327 = vector.broadcast %ge3A_326 : i32 to vector<256x1xi32>
      %ge3A_328 = arith.cmpi sge, %broadcast_in_dim3A_325, %ge3A_327 : vector<256x1xi32>
      %select_n3A_329 = arith.select %ge3A_328, %or3A_319, %select_n3A_316 : vector<256x1xi1>, vector<256x1xi32>
      %or3A_330 = arith.constant 262144 : i32
      %or3A_331 = vector.broadcast %or3A_330 : i32 to vector<256x1xi32>
      %or3A_332 = arith.ori %select_n3A_329, %or3A_331 : vector<256x1xi32>
      %ge3A_333 = vector.broadcast %or3A_332 : vector<256x1xi32> to vector<256x768xi32>
      %ge3A_334 = arith.cmpi sge, %bitcast_convert_type3A, %ge3A_333 : vector<256x768xi32>
      %convert_element_type3A_335 = arith.extui %ge3A_334 : vector<256x768xi1> to vector<256x768xi32>
      %reduce_sum3A_336 = arith.constant dense<0> : vector<256xi32>
      %reduce_sum3A_337 = vector.multi_reduction <add>, %convert_element_type3A_335, %reduce_sum3A_336 [1] : vector<256x768xi32> to vector<256xi32>
      %broadcast_in_dim3A_338 = vector.shape_cast %reduce_sum3A_337 : vector<256xi32> to vector<256x1xi32>
      %ge3A_339 = arith.constant 384 : i32
      %ge3A_340 = vector.broadcast %ge3A_339 : i32 to vector<256x1xi32>
      %ge3A_341 = arith.cmpi sge, %broadcast_in_dim3A_338, %ge3A_340 : vector<256x1xi32>
      %select_n3A_342 = arith.select %ge3A_341, %or3A_332, %select_n3A_329 : vector<256x1xi1>, vector<256x1xi32>
      %or3A_343 = arith.constant 131072 : i32
      %or3A_344 = vector.broadcast %or3A_343 : i32 to vector<256x1xi32>
      %or3A_345 = arith.ori %select_n3A_342, %or3A_344 : vector<256x1xi32>
      %ge3A_346 = vector.broadcast %or3A_345 : vector<256x1xi32> to vector<256x768xi32>
      %ge3A_347 = arith.cmpi sge, %bitcast_convert_type3A, %ge3A_346 : vector<256x768xi32>
      %convert_element_type3A_348 = arith.extui %ge3A_347 : vector<256x768xi1> to vector<256x768xi32>
      %reduce_sum3A_349 = arith.constant dense<0> : vector<256xi32>
      %reduce_sum3A_350 = vector.multi_reduction <add>, %convert_element_type3A_348, %reduce_sum3A_349 [1] : vector<256x768xi32> to vector<256xi32>
      %broadcast_in_dim3A_351 = vector.shape_cast %reduce_sum3A_350 : vector<256xi32> to vector<256x1xi32>
      %ge3A_352 = arith.constant 384 : i32
      %ge3A_353 = vector.broadcast %ge3A_352 : i32 to vector<256x1xi32>
      %ge3A_354 = arith.cmpi sge, %broadcast_in_dim3A_351, %ge3A_353 : vector<256x1xi32>
      %select_n3A_355 = arith.select %ge3A_354, %or3A_345, %select_n3A_342 : vector<256x1xi1>, vector<256x1xi32>
      %or3A_356 = arith.constant 65536 : i32
      %or3A_357 = vector.broadcast %or3A_356 : i32 to vector<256x1xi32>
      %or3A_358 = arith.ori %select_n3A_355, %or3A_357 : vector<256x1xi32>
      %ge3A_359 = vector.broadcast %or3A_358 : vector<256x1xi32> to vector<256x768xi32>
      %ge3A_360 = arith.cmpi sge, %bitcast_convert_type3A, %ge3A_359 : vector<256x768xi32>
      %convert_element_type3A_361 = arith.extui %ge3A_360 : vector<256x768xi1> to vector<256x768xi32>
      %reduce_sum3A_362 = arith.constant dense<0> : vector<256xi32>
      %reduce_sum3A_363 = vector.multi_reduction <add>, %convert_element_type3A_361, %reduce_sum3A_362 [1] : vector<256x768xi32> to vector<256xi32>
      %broadcast_in_dim3A_364 = vector.shape_cast %reduce_sum3A_363 : vector<256xi32> to vector<256x1xi32>
      %ge3A_365 = arith.constant 384 : i32
      %ge3A_366 = vector.broadcast %ge3A_365 : i32 to vector<256x1xi32>
      %ge3A_367 = arith.cmpi sge, %broadcast_in_dim3A_364, %ge3A_366 : vector<256x1xi32>
      %select_n3A_368 = arith.select %ge3A_367, %or3A_358, %select_n3A_355 : vector<256x1xi1>, vector<256x1xi32>
      %or3A_369 = arith.constant 32768 : i32
      %or3A_370 = vector.broadcast %or3A_369 : i32 to vector<256x1xi32>
      %or3A_371 = arith.ori %select_n3A_368, %or3A_370 : vector<256x1xi32>
      %ge3A_372 = vector.broadcast %or3A_371 : vector<256x1xi32> to vector<256x768xi32>
      %ge3A_373 = arith.cmpi sge, %bitcast_convert_type3A, %ge3A_372 : vector<256x768xi32>
      %convert_element_type3A_374 = arith.extui %ge3A_373 : vector<256x768xi1> to vector<256x768xi32>
      %reduce_sum3A_375 = arith.constant dense<0> : vector<256xi32>
      %reduce_sum3A_376 = vector.multi_reduction <add>, %convert_element_type3A_374, %reduce_sum3A_375 [1] : vector<256x768xi32> to vector<256xi32>
      %broadcast_in_dim3A_377 = vector.shape_cast %reduce_sum3A_376 : vector<256xi32> to vector<256x1xi32>
      %ge3A_378 = arith.constant 384 : i32
      %ge3A_379 = vector.broadcast %ge3A_378 : i32 to vector<256x1xi32>
      %ge3A_380 = arith.cmpi sge, %broadcast_in_dim3A_377, %ge3A_379 : vector<256x1xi32>
      %select_n3A_381 = arith.select %ge3A_380, %or3A_371, %select_n3A_368 : vector<256x1xi1>, vector<256x1xi32>
      %or3A_382 = arith.constant 16384 : i32
      %or3A_383 = vector.broadcast %or3A_382 : i32 to vector<256x1xi32>
      %or3A_384 = arith.ori %select_n3A_381, %or3A_383 : vector<256x1xi32>
      %ge3A_385 = vector.broadcast %or3A_384 : vector<256x1xi32> to vector<256x768xi32>
      %ge3A_386 = arith.cmpi sge, %bitcast_convert_type3A, %ge3A_385 : vector<256x768xi32>
      %convert_element_type3A_387 = arith.extui %ge3A_386 : vector<256x768xi1> to vector<256x768xi32>
      %reduce_sum3A_388 = arith.constant dense<0> : vector<256xi32>
      %reduce_sum3A_389 = vector.multi_reduction <add>, %convert_element_type3A_387, %reduce_sum3A_388 [1] : vector<256x768xi32> to vector<256xi32>
      %broadcast_in_dim3A_390 = vector.shape_cast %reduce_sum3A_389 : vector<256xi32> to vector<256x1xi32>
      %ge3A_391 = arith.constant 384 : i32
      %ge3A_392 = vector.broadcast %ge3A_391 : i32 to vector<256x1xi32>
      %ge3A_393 = arith.cmpi sge, %broadcast_in_dim3A_390, %ge3A_392 : vector<256x1xi32>
      %select_n3A_394 = arith.select %ge3A_393, %or3A_384, %select_n3A_381 : vector<256x1xi1>, vector<256x1xi32>
      %or3A_395 = arith.constant 8192 : i32
      %or3A_396 = vector.broadcast %or3A_395 : i32 to vector<256x1xi32>
      %or3A_397 = arith.ori %select_n3A_394, %or3A_396 : vector<256x1xi32>
      %ge3A_398 = vector.broadcast %or3A_397 : vector<256x1xi32> to vector<256x768xi32>
      %ge3A_399 = arith.cmpi sge, %bitcast_convert_type3A, %ge3A_398 : vector<256x768xi32>
      %convert_element_type3A_400 = arith.extui %ge3A_399 : vector<256x768xi1> to vector<256x768xi32>
      %reduce_sum3A_401 = arith.constant dense<0> : vector<256xi32>
      %reduce_sum3A_402 = vector.multi_reduction <add>, %convert_element_type3A_400, %reduce_sum3A_401 [1] : vector<256x768xi32> to vector<256xi32>
      %broadcast_in_dim3A_403 = vector.shape_cast %reduce_sum3A_402 : vector<256xi32> to vector<256x1xi32>
      %ge3A_404 = arith.constant 384 : i32
      %ge3A_405 = vector.broadcast %ge3A_404 : i32 to vector<256x1xi32>
      %ge3A_406 = arith.cmpi sge, %broadcast_in_dim3A_403, %ge3A_405 : vector<256x1xi32>
      %select_n3A_407 = arith.select %ge3A_406, %or3A_397, %select_n3A_394 : vector<256x1xi1>, vector<256x1xi32>
      %or3A_408 = arith.constant 4096 : i32
      %or3A_409 = vector.broadcast %or3A_408 : i32 to vector<256x1xi32>
      %or3A_410 = arith.ori %select_n3A_407, %or3A_409 : vector<256x1xi32>
      %ge3A_411 = vector.broadcast %or3A_410 : vector<256x1xi32> to vector<256x768xi32>
      %ge3A_412 = arith.cmpi sge, %bitcast_convert_type3A, %ge3A_411 : vector<256x768xi32>
      %convert_element_type3A_413 = arith.extui %ge3A_412 : vector<256x768xi1> to vector<256x768xi32>
      %reduce_sum3A_414 = arith.constant dense<0> : vector<256xi32>
      %reduce_sum3A_415 = vector.multi_reduction <add>, %convert_element_type3A_413, %reduce_sum3A_414 [1] : vector<256x768xi32> to vector<256xi32>
      %broadcast_in_dim3A_416 = vector.shape_cast %reduce_sum3A_415 : vector<256xi32> to vector<256x1xi32>
      %ge3A_417 = arith.constant 384 : i32
      %ge3A_418 = vector.broadcast %ge3A_417 : i32 to vector<256x1xi32>
      %ge3A_419 = arith.cmpi sge, %broadcast_in_dim3A_416, %ge3A_418 : vector<256x1xi32>
      %select_n3A_420 = arith.select %ge3A_419, %or3A_410, %select_n3A_407 : vector<256x1xi1>, vector<256x1xi32>
      %or3A_421 = arith.constant 2048 : i32
      %or3A_422 = vector.broadcast %or3A_421 : i32 to vector<256x1xi32>
      %or3A_423 = arith.ori %select_n3A_420, %or3A_422 : vector<256x1xi32>
      %ge3A_424 = vector.broadcast %or3A_423 : vector<256x1xi32> to vector<256x768xi32>
      %ge3A_425 = arith.cmpi sge, %bitcast_convert_type3A, %ge3A_424 : vector<256x768xi32>
      %convert_element_type3A_426 = arith.extui %ge3A_425 : vector<256x768xi1> to vector<256x768xi32>
      %reduce_sum3A_427 = arith.constant dense<0> : vector<256xi32>
      %reduce_sum3A_428 = vector.multi_reduction <add>, %convert_element_type3A_426, %reduce_sum3A_427 [1] : vector<256x768xi32> to vector<256xi32>
      %broadcast_in_dim3A_429 = vector.shape_cast %reduce_sum3A_428 : vector<256xi32> to vector<256x1xi32>
      %ge3A_430 = arith.constant 384 : i32
      %ge3A_431 = vector.broadcast %ge3A_430 : i32 to vector<256x1xi32>
      %ge3A_432 = arith.cmpi sge, %broadcast_in_dim3A_429, %ge3A_431 : vector<256x1xi32>
      %select_n3A_433 = arith.select %ge3A_432, %or3A_423, %select_n3A_420 : vector<256x1xi1>, vector<256x1xi32>
      %or3A_434 = arith.constant 1024 : i32
      %or3A_435 = vector.broadcast %or3A_434 : i32 to vector<256x1xi32>
      %or3A_436 = arith.ori %select_n3A_433, %or3A_435 : vector<256x1xi32>
      %ge3A_437 = vector.broadcast %or3A_436 : vector<256x1xi32> to vector<256x768xi32>
      %ge3A_438 = arith.cmpi sge, %bitcast_convert_type3A, %ge3A_437 : vector<256x768xi32>
      %convert_element_type3A_439 = arith.extui %ge3A_438 : vector<256x768xi1> to vector<256x768xi32>
      %reduce_sum3A_440 = arith.constant dense<0> : vector<256xi32>
      %reduce_sum3A_441 = vector.multi_reduction <add>, %convert_element_type3A_439, %reduce_sum3A_440 [1] : vector<256x768xi32> to vector<256xi32>
      %broadcast_in_dim3A_442 = vector.shape_cast %reduce_sum3A_441 : vector<256xi32> to vector<256x1xi32>
      %ge3A_443 = arith.constant 384 : i32
      %ge3A_444 = vector.broadcast %ge3A_443 : i32 to vector<256x1xi32>
      %ge3A_445 = arith.cmpi sge, %broadcast_in_dim3A_442, %ge3A_444 : vector<256x1xi32>
      %select_n3A_446 = arith.select %ge3A_445, %or3A_436, %select_n3A_433 : vector<256x1xi1>, vector<256x1xi32>
      %or3A_447 = arith.constant 512 : i32
      %or3A_448 = vector.broadcast %or3A_447 : i32 to vector<256x1xi32>
      %or3A_449 = arith.ori %select_n3A_446, %or3A_448 : vector<256x1xi32>
      %ge3A_450 = vector.broadcast %or3A_449 : vector<256x1xi32> to vector<256x768xi32>
      %ge3A_451 = arith.cmpi sge, %bitcast_convert_type3A, %ge3A_450 : vector<256x768xi32>
      %convert_element_type3A_452 = arith.extui %ge3A_451 : vector<256x768xi1> to vector<256x768xi32>
      %reduce_sum3A_453 = arith.constant dense<0> : vector<256xi32>
      %reduce_sum3A_454 = vector.multi_reduction <add>, %convert_element_type3A_452, %reduce_sum3A_453 [1] : vector<256x768xi32> to vector<256xi32>
      %broadcast_in_dim3A_455 = vector.shape_cast %reduce_sum3A_454 : vector<256xi32> to vector<256x1xi32>
      %ge3A_456 = arith.constant 384 : i32
      %ge3A_457 = vector.broadcast %ge3A_456 : i32 to vector<256x1xi32>
      %ge3A_458 = arith.cmpi sge, %broadcast_in_dim3A_455, %ge3A_457 : vector<256x1xi32>
      %select_n3A_459 = arith.select %ge3A_458, %or3A_449, %select_n3A_446 : vector<256x1xi1>, vector<256x1xi32>
      %or3A_460 = arith.constant 256 : i32
      %or3A_461 = vector.broadcast %or3A_460 : i32 to vector<256x1xi32>
      %or3A_462 = arith.ori %select_n3A_459, %or3A_461 : vector<256x1xi32>
      %ge3A_463 = vector.broadcast %or3A_462 : vector<256x1xi32> to vector<256x768xi32>
      %ge3A_464 = arith.cmpi sge, %bitcast_convert_type3A, %ge3A_463 : vector<256x768xi32>
      %convert_element_type3A_465 = arith.extui %ge3A_464 : vector<256x768xi1> to vector<256x768xi32>
      %reduce_sum3A_466 = arith.constant dense<0> : vector<256xi32>
      %reduce_sum3A_467 = vector.multi_reduction <add>, %convert_element_type3A_465, %reduce_sum3A_466 [1] : vector<256x768xi32> to vector<256xi32>
      %broadcast_in_dim3A_468 = vector.shape_cast %reduce_sum3A_467 : vector<256xi32> to vector<256x1xi32>
      %ge3A_469 = arith.constant 384 : i32
      %ge3A_470 = vector.broadcast %ge3A_469 : i32 to vector<256x1xi32>
      %ge3A_471 = arith.cmpi sge, %broadcast_in_dim3A_468, %ge3A_470 : vector<256x1xi32>
      %select_n3A_472 = arith.select %ge3A_471, %or3A_462, %select_n3A_459 : vector<256x1xi1>, vector<256x1xi32>
      %or3A_473 = arith.constant 128 : i32
      %or3A_474 = vector.broadcast %or3A_473 : i32 to vector<256x1xi32>
      %or3A_475 = arith.ori %select_n3A_472, %or3A_474 : vector<256x1xi32>
      %ge3A_476 = vector.broadcast %or3A_475 : vector<256x1xi32> to vector<256x768xi32>
      %ge3A_477 = arith.cmpi sge, %bitcast_convert_type3A, %ge3A_476 : vector<256x768xi32>
      %convert_element_type3A_478 = arith.extui %ge3A_477 : vector<256x768xi1> to vector<256x768xi32>
      %reduce_sum3A_479 = arith.constant dense<0> : vector<256xi32>
      %reduce_sum3A_480 = vector.multi_reduction <add>, %convert_element_type3A_478, %reduce_sum3A_479 [1] : vector<256x768xi32> to vector<256xi32>
      %broadcast_in_dim3A_481 = vector.shape_cast %reduce_sum3A_480 : vector<256xi32> to vector<256x1xi32>
      %ge3A_482 = arith.constant 384 : i32
      %ge3A_483 = vector.broadcast %ge3A_482 : i32 to vector<256x1xi32>
      %ge3A_484 = arith.cmpi sge, %broadcast_in_dim3A_481, %ge3A_483 : vector<256x1xi32>
      %select_n3A_485 = arith.select %ge3A_484, %or3A_475, %select_n3A_472 : vector<256x1xi1>, vector<256x1xi32>
      %or3A_486 = arith.constant 64 : i32
      %or3A_487 = vector.broadcast %or3A_486 : i32 to vector<256x1xi32>
      %or3A_488 = arith.ori %select_n3A_485, %or3A_487 : vector<256x1xi32>
      %ge3A_489 = vector.broadcast %or3A_488 : vector<256x1xi32> to vector<256x768xi32>
      %ge3A_490 = arith.cmpi sge, %bitcast_convert_type3A, %ge3A_489 : vector<256x768xi32>
      %convert_element_type3A_491 = arith.extui %ge3A_490 : vector<256x768xi1> to vector<256x768xi32>
      %reduce_sum3A_492 = arith.constant dense<0> : vector<256xi32>
      %reduce_sum3A_493 = vector.multi_reduction <add>, %convert_element_type3A_491, %reduce_sum3A_492 [1] : vector<256x768xi32> to vector<256xi32>
      %broadcast_in_dim3A_494 = vector.shape_cast %reduce_sum3A_493 : vector<256xi32> to vector<256x1xi32>
      %ge3A_495 = arith.constant 384 : i32
      %ge3A_496 = vector.broadcast %ge3A_495 : i32 to vector<256x1xi32>
      %ge3A_497 = arith.cmpi sge, %broadcast_in_dim3A_494, %ge3A_496 : vector<256x1xi32>
      %select_n3A_498 = arith.select %ge3A_497, %or3A_488, %select_n3A_485 : vector<256x1xi1>, vector<256x1xi32>
      %or3A_499 = arith.constant 32 : i32
      %or3A_500 = vector.broadcast %or3A_499 : i32 to vector<256x1xi32>
      %or3A_501 = arith.ori %select_n3A_498, %or3A_500 : vector<256x1xi32>
      %ge3A_502 = vector.broadcast %or3A_501 : vector<256x1xi32> to vector<256x768xi32>
      %ge3A_503 = arith.cmpi sge, %bitcast_convert_type3A, %ge3A_502 : vector<256x768xi32>
      %convert_element_type3A_504 = arith.extui %ge3A_503 : vector<256x768xi1> to vector<256x768xi32>
      %reduce_sum3A_505 = arith.constant dense<0> : vector<256xi32>
      %reduce_sum3A_506 = vector.multi_reduction <add>, %convert_element_type3A_504, %reduce_sum3A_505 [1] : vector<256x768xi32> to vector<256xi32>
      %broadcast_in_dim3A_507 = vector.shape_cast %reduce_sum3A_506 : vector<256xi32> to vector<256x1xi32>
      %ge3A_508 = arith.constant 384 : i32
      %ge3A_509 = vector.broadcast %ge3A_508 : i32 to vector<256x1xi32>
      %ge3A_510 = arith.cmpi sge, %broadcast_in_dim3A_507, %ge3A_509 : vector<256x1xi32>
      %select_n3A_511 = arith.select %ge3A_510, %or3A_501, %select_n3A_498 : vector<256x1xi1>, vector<256x1xi32>
      %or3A_512 = arith.constant 16 : i32
      %or3A_513 = vector.broadcast %or3A_512 : i32 to vector<256x1xi32>
      %or3A_514 = arith.ori %select_n3A_511, %or3A_513 : vector<256x1xi32>
      %ge3A_515 = vector.broadcast %or3A_514 : vector<256x1xi32> to vector<256x768xi32>
      %ge3A_516 = arith.cmpi sge, %bitcast_convert_type3A, %ge3A_515 : vector<256x768xi32>
      %convert_element_type3A_517 = arith.extui %ge3A_516 : vector<256x768xi1> to vector<256x768xi32>
      %reduce_sum3A_518 = arith.constant dense<0> : vector<256xi32>
      %reduce_sum3A_519 = vector.multi_reduction <add>, %convert_element_type3A_517, %reduce_sum3A_518 [1] : vector<256x768xi32> to vector<256xi32>
      %broadcast_in_dim3A_520 = vector.shape_cast %reduce_sum3A_519 : vector<256xi32> to vector<256x1xi32>
      %ge3A_521 = arith.constant 384 : i32
      %ge3A_522 = vector.broadcast %ge3A_521 : i32 to vector<256x1xi32>
      %ge3A_523 = arith.cmpi sge, %broadcast_in_dim3A_520, %ge3A_522 : vector<256x1xi32>
      %select_n3A_524 = arith.select %ge3A_523, %or3A_514, %select_n3A_511 : vector<256x1xi1>, vector<256x1xi32>
      %or3A_525 = arith.constant 8 : i32
      %or3A_526 = vector.broadcast %or3A_525 : i32 to vector<256x1xi32>
      %or3A_527 = arith.ori %select_n3A_524, %or3A_526 : vector<256x1xi32>
      %ge3A_528 = vector.broadcast %or3A_527 : vector<256x1xi32> to vector<256x768xi32>
      %ge3A_529 = arith.cmpi sge, %bitcast_convert_type3A, %ge3A_528 : vector<256x768xi32>
      %convert_element_type3A_530 = arith.extui %ge3A_529 : vector<256x768xi1> to vector<256x768xi32>
      %reduce_sum3A_531 = arith.constant dense<0> : vector<256xi32>
      %reduce_sum3A_532 = vector.multi_reduction <add>, %convert_element_type3A_530, %reduce_sum3A_531 [1] : vector<256x768xi32> to vector<256xi32>
      %broadcast_in_dim3A_533 = vector.shape_cast %reduce_sum3A_532 : vector<256xi32> to vector<256x1xi32>
      %ge3A_534 = arith.constant 384 : i32
      %ge3A_535 = vector.broadcast %ge3A_534 : i32 to vector<256x1xi32>
      %ge3A_536 = arith.cmpi sge, %broadcast_in_dim3A_533, %ge3A_535 : vector<256x1xi32>
      %select_n3A_537 = arith.select %ge3A_536, %or3A_527, %select_n3A_524 : vector<256x1xi1>, vector<256x1xi32>
      %or3A_538 = arith.constant 4 : i32
      %or3A_539 = vector.broadcast %or3A_538 : i32 to vector<256x1xi32>
      %or3A_540 = arith.ori %select_n3A_537, %or3A_539 : vector<256x1xi32>
      %ge3A_541 = vector.broadcast %or3A_540 : vector<256x1xi32> to vector<256x768xi32>
      %ge3A_542 = arith.cmpi sge, %bitcast_convert_type3A, %ge3A_541 : vector<256x768xi32>
      %convert_element_type3A_543 = arith.extui %ge3A_542 : vector<256x768xi1> to vector<256x768xi32>
      %reduce_sum3A_544 = arith.constant dense<0> : vector<256xi32>
      %reduce_sum3A_545 = vector.multi_reduction <add>, %convert_element_type3A_543, %reduce_sum3A_544 [1] : vector<256x768xi32> to vector<256xi32>
      %broadcast_in_dim3A_546 = vector.shape_cast %reduce_sum3A_545 : vector<256xi32> to vector<256x1xi32>
      %ge3A_547 = arith.constant 384 : i32
      %ge3A_548 = vector.broadcast %ge3A_547 : i32 to vector<256x1xi32>
      %ge3A_549 = arith.cmpi sge, %broadcast_in_dim3A_546, %ge3A_548 : vector<256x1xi32>
      %select_n3A_550 = arith.select %ge3A_549, %or3A_540, %select_n3A_537 : vector<256x1xi1>, vector<256x1xi32>
      %or3A_551 = arith.constant 2 : i32
      %or3A_552 = vector.broadcast %or3A_551 : i32 to vector<256x1xi32>
      %or3A_553 = arith.ori %select_n3A_550, %or3A_552 : vector<256x1xi32>
      %ge3A_554 = vector.broadcast %or3A_553 : vector<256x1xi32> to vector<256x768xi32>
      %ge3A_555 = arith.cmpi sge, %bitcast_convert_type3A, %ge3A_554 : vector<256x768xi32>
      %convert_element_type3A_556 = arith.extui %ge3A_555 : vector<256x768xi1> to vector<256x768xi32>
      %reduce_sum3A_557 = arith.constant dense<0> : vector<256xi32>
      %reduce_sum3A_558 = vector.multi_reduction <add>, %convert_element_type3A_556, %reduce_sum3A_557 [1] : vector<256x768xi32> to vector<256xi32>
      %broadcast_in_dim3A_559 = vector.shape_cast %reduce_sum3A_558 : vector<256xi32> to vector<256x1xi32>
      %ge3A_560 = arith.constant 384 : i32
      %ge3A_561 = vector.broadcast %ge3A_560 : i32 to vector<256x1xi32>
      %ge3A_562 = arith.cmpi sge, %broadcast_in_dim3A_559, %ge3A_561 : vector<256x1xi32>
      %select_n3A_563 = arith.select %ge3A_562, %or3A_553, %select_n3A_550 : vector<256x1xi1>, vector<256x1xi32>
      %or3A_564 = arith.constant 1 : i32
      %or3A_565 = vector.broadcast %or3A_564 : i32 to vector<256x1xi32>
      %or3A_566 = arith.ori %select_n3A_563, %or3A_565 : vector<256x1xi32>
      %ge3A_567 = vector.broadcast %or3A_566 : vector<256x1xi32> to vector<256x768xi32>
      %ge3A_568 = arith.cmpi sge, %bitcast_convert_type3A, %ge3A_567 : vector<256x768xi32>
      %convert_element_type3A_569 = arith.extui %ge3A_568 : vector<256x768xi1> to vector<256x768xi32>
      %reduce_sum3A_570 = arith.constant dense<0> : vector<256xi32>
      %reduce_sum3A_571 = vector.multi_reduction <add>, %convert_element_type3A_569, %reduce_sum3A_570 [1] : vector<256x768xi32> to vector<256xi32>
      %broadcast_in_dim3A_572 = vector.shape_cast %reduce_sum3A_571 : vector<256xi32> to vector<256x1xi32>
      %ge3A_573 = arith.constant 384 : i32
      %ge3A_574 = vector.broadcast %ge3A_573 : i32 to vector<256x1xi32>
      %ge3A_575 = arith.cmpi sge, %broadcast_in_dim3A_572, %ge3A_574 : vector<256x1xi32>
      %select_n3A_576 = arith.select %ge3A_575, %or3A_566, %select_n3A_563 : vector<256x1xi1>, vector<256x1xi32>
      %gt3A_577 = vector.broadcast %select_n3A_576 : vector<256x1xi32> to vector<256x768xi32>
      %gt3A_578 = arith.cmpi sgt, %bitcast_convert_type3A, %gt3A_577 : vector<256x768xi32>
      %eq3A_579 = vector.broadcast %select_n3A_576 : vector<256x1xi32> to vector<256x768xi32>
      %eq3A_580 = arith.cmpi eq, %bitcast_convert_type3A, %eq3A_579 : vector<256x768xi32>
      %convert_element_type3A_581 = arith.extui %gt3A_578 : vector<256x768xi1> to vector<256x768xi32>
      %reduce_sum3A_582 = arith.constant dense<0> : vector<256xi32>
      %reduce_sum3A_583 = vector.multi_reduction <add>, %convert_element_type3A_581, %reduce_sum3A_582 [1] : vector<256x768xi32> to vector<256xi32>
      %broadcast_in_dim3A_584 = vector.shape_cast %reduce_sum3A_583 : vector<256xi32> to vector<256x1xi32>
      %sub3A_585 = arith.constant 384 : i32
      %sub3A_586 = vector.broadcast %sub3A_585 : i32 to vector<256x1xi32>
      %sub3A_587 = arith.subi %sub3A_586, %broadcast_in_dim3A_584 : vector<256x1xi32>
      %iota3A = tpu.iota {dimensions = array<i32: 0>} : vector<768x768xi32>
      %iota3A_588 = tpu.iota {dimensions = array<i32: 1>} : vector<768x768xi32>
      %lt3A_589 = arith.cmpi slt, %iota3A, %iota3A_588 : vector<768x768xi32>
      %convert_element_type3A_590 = arith.extui %lt3A_589 : vector<768x768xi1> to vector<768x768xi32>
      %convert_element_type3A_591 = arith.sitofp %convert_element_type3A_590 : vector<768x768xi32> to vector<768x768xf32>
      %convert_element_type3A_592 = arith.truncf %convert_element_type3A_591 : vector<768x768xf32> to vector<768x768xbf16>
      %convert_element_type3A_593 = arith.extui %eq3A_580 : vector<256x768xi1> to vector<256x768xi32>
      %convert_element_type3A_594 = arith.sitofp %convert_element_type3A_593 : vector<256x768xi32> to vector<256x768xf32>
      %convert_element_type3A_595 = arith.truncf %convert_element_type3A_594 : vector<256x768xf32> to vector<256x768xbf16>
      %dot_general3A_596 = arith.constant dense<0.000000e+00> : vector<256x768xf32>
      %dot_general3A_597 = tpu.matmul %convert_element_type3A_595, %convert_element_type3A_592, %dot_general3A_596 {dimension_numbers = #tpu.dot_dimension_numbers<[1], [0], [0], [1], [0, 0, 1, 1], [], []>, transpose_lhs_hint = false} : vector<256x768xbf16>, vector<768x768xbf16>, vector<256x768xf32> -> vector<256x768xf32>
      %convert_element_type3A_598 = arith.fptosi %dot_general3A_597 : vector<256x768xf32> to vector<256x768xi32>
      %lt3A_599 = vector.broadcast %sub3A_587 : vector<256x1xi32> to vector<256x768xi32>
      %lt3A_600 = arith.cmpi slt, %convert_element_type3A_598, %lt3A_599 : vector<256x768xi32>
      %and3A = arith.andi %eq3A_580, %lt3A_600 : vector<256x768xi1>
      %or3A_601 = arith.ori %gt3A_578, %and3A : vector<256x768xi1>
      %convert_element_type3A_602 = arith.extui %or3A_601 : vector<256x768xi1> to vector<256x768xi32>
      %convert_element_type3A_603 = arith.sitofp %convert_element_type3A_602 : vector<256x768xi32> to vector<256x768xf32>
      %convert_element_type3A_604 = arith.truncf %convert_element_type3A_603 : vector<256x768xf32> to vector<256x768xbf16>
      %dot_general3A_605 = arith.constant dense<0.000000e+00> : vector<256x768xf32>
      %dot_general3A_606 = tpu.matmul %convert_element_type3A_604, %convert_element_type3A_592, %dot_general3A_605 {dimension_numbers = #tpu.dot_dimension_numbers<[1], [0], [0], [1], [0, 0, 1, 1], [], []>, transpose_lhs_hint = false} : vector<256x768xbf16>, vector<768x768xbf16>, vector<256x768xf32> -> vector<256x768xf32>
      %convert_element_type3A_607 = arith.fptosi %dot_general3A_606 : vector<256x768xf32> to vector<256x768xi32>
      %convert_element_type3A_608 = arith.extui %or3A_601 : vector<256x768xi1> to vector<256x768xi32>
      %add3A_609 = arith.addi %convert_element_type3A_607, %convert_element_type3A_608 : vector<256x768xi32>
      %swap3A = arith.constant 0 : index
      %swap3A_610 = arith.constant 0 : index
      %swap3A_611 = vector.load %arg4[%swap3A, %swap3A_610] : memref<256x768xi32, #tpu.memory_space<vmem>>, vector<256x768xi32>
      tpu.vector_store %arg4[%swap3A, %swap3A_610], %add3A_609 {strides = array<i32>} : memref<256x768xi32, #tpu.memory_space<vmem>>, vector<256x768xi32>,
    } else {
    }
    return
  }
  func.func @transform_0(%arg0: i32) -> (i32, i32, i32) {
    %c0_i32 = arith.constant 0 : i32
    %c0_i32_0 = arith.constant 0 : i32
    %c0_i32_1 = arith.constant 0 : i32
    return %arg0, %c0_i32, %c0_i32_0 : i32, i32, i32
  }
  func.func @transform_1(%arg0: i32) -> (i32, i32) {
    %c0_i32 = arith.constant 0 : i32
    %c0_i32_0 = arith.constant 0 : i32
    %c0_i32_1 = arith.constant 0 : i32
    return %c0_i32, %c0_i32_0 : i32, i32
  }
  func.func @transform_2(%arg0: i32) -> (i32, i32) {
    %c0_i32 = arith.constant 0 : i32
    %c0_i32_0 = arith.constant 0 : i32
    %c0_i32_1 = arith.constant 0 : i32
    return %c0_i32, %c0_i32_0 : i32, i32
  }
  func.func @transform_3(%arg0: i32) -> (i32, i32) {
    %c0_i32 = arith.constant 0 : i32
    %c0_i32_0 = arith.constant 0 : i32
    %c0_i32_1 = arith.constant 0 : i32
    return %c0_i32, %c0_i32_0 : i32, i32
  }
}

</mosaic_0001>

<sc_bundles>
// kernel: kernel.4.cloned.1.call-start
scs
__scs_entry_jumppad:
0x0: {  	(pc) =	sbr.rel $0x88, $3  }
0x1: {  	(tag) =	ssettag $0x0;
	lr =	simm.s32 $0x1  }
0x2: {  	[smem:$0x3F9E] =	sst lr;
	_ =	strace $0xD0000000  }
0x3: {  	_ = 	snop  }
0x4: {  	_ = 	snop  }
0x5: {  	_ = 	snop  }
0x6: {  	_ = 	snop  }
0x7: {  	_ = 	snop  }
__scs_overlays_trampoline_lowered:
0x8: {  	[smem:$0x3FAD] =	sst s0  }
0x9: {  	[smem:$0x3FAE] =	sst s1  }
0xa: {  	[smem:$0x3FAF] =	sst s2  }
0xb: {  	[smem:$0x3FB0] =	sst s3  }
0xc: {  	[smem:$0x3FB1] =	sst s4  }
0xd: {  	[smem:$0x3FB2] =	sst s5  }
0xe: {  	[smem:$0x3FB3] =	sst s6  }
0xf: {  	[smem:$0x3FB4] =	sst s7  }
0x10: {  	[smem:$0x3FB5] =	sst s8  }
0x11: {  	[smem:$0x3FB6] =	sst s9;
	s0 =	simm.s32 @!p0 $0x0  }
0x12: {  	s1 =	sld [smem:$0x3F9C];
	s0 =	simm.s32 @p0 $0x1  }
0x13: {  	[smem:$0x3FB7] =	sst s0;
	s0 =	simm.s32 @!p1 $0x0  }
0x14: {  	s2 =	sld [smem:$0x3F9B];
	s0 =	simm.s32 @p1 $0x1  }
0x15: {  	[smem:$0x3FB8] =	sst s0;
	s0 =	simm.s32 @!p2 $0x0  }
0x16: {  	s3 =	sld [smem:$0x3FDB];
	s0 =	simm.s32 @p2 $0x1  }
0x17: {  	s4 =	simm.s32 $0x1BF5;
	[smem:$0x3FBA] =	sst s0  }
0x18: {  	s0 =	sld [smem:$0x3F9D];
	_ =	swait.ge [sflag:s4], $0x0  }
0x19: {  	s7 =	sld [smem:$0x3F9E]  }
0x1a: {  	s8 =	sadd.s32 $0xFFFFE003, lr  }
0x1b: {  	s9 =	sadd.s32 $0xFFFFFEF7, lr;
	s5 =	simm.s32 $0xFFFFFFFF;
	p2 =	slt.u32 s8, $0xFFFFF086  }
0x1c: {  	p1 =	slt.u32 s9, $0xF7A;
	s5 =	simm.s32 @!p2 $0x0  }
0x1d: {  	s5 =	simm.s32 @p1 $0x1;
	p0 =	seq.s32 s7, s2  }
0x1e: {  	s7 =	smul.u32 @!p0 $0xF7A, s2;
	p2 =	seq.s32 @!p0 s5, $0x0  }
0x1f: {  	s9 =	smul.u32 $0xF7A, s1;
	s8 =	simm.s32 @!p0 $0x1BF5;
	p2 =	por !p2, p0  }
0x20: {  	[sflag:s8] =	ssyncset.s32 @!p0 $0xFFFFF086;
	s6 =	sadd.s32 @!p0 s3, s7;
	s7 =	simm.s32 @!p0 $0x108  }
0x21: {  	s3 =	sadd.s32 s3, s9;
	s6 =	sadd.s32 @!p0 $0x88, s6;
	s7 =	simm.s32 @p2 $0x1082  }
0x22: {  	[simem:s7], [sflag:s8] =	dma.local @!p0 [hbm:s6], $0xF7A  }
0x23: {  	s9 =	sor.u32 $0xD0000000, s2;
	s6 =	simm.s32 $0x108;
	_ =	swait.ge @!p0 [sflag:s8], $0x0  }
0x24: {  	s3 =	sadd.s32 $0x88, s3;
	s6 =	simm.s32 @!p1 $0x1082;
	[sflag:s4] =	ssyncset.s32 $0xFFFFF086  }
0x25: {  	[simem:s6], [sflag:s4] =	dma.local [hbm:s3], $0xF7A  }
0x26: {  	[smem:$0x3F9E] =	sst s1;
	(tag) =	ssettag s2;
	_ =	strace s9  }
0x27: {  	s1 =	sld [smem:$0x3FAE]  }
0x28: {  	s2 =	sld [smem:$0x3FAF]  }
0x29: {  	s4 =	sld [smem:$0x3FB1]  }
0x2a: {  	p0 =	seq.s32 s5, $0x0;
	s5 =	sld [smem:$0x3FB2]  }
0x2b: {  	s6 =	sld [smem:$0x3FB3]  }
0x2c: {  	s7 =	sld [smem:$0x3FB4]  }
0x2d: {  	s3 =	simm.s32 $0x108;
	s8 =	sld [smem:$0x3FB5]  }
0x2e: {  	s3 =	simm.s32 @!p0 $0x1082;
	s9 =	sld [smem:$0x3FB6]  }
0x2f: {  	lr =	sadd.s32 s0, s3;
	s0 =	sld [smem:$0x3FAD]  }
0x30: {  	s3 =	sld [smem:$0x3FB0]  }
0x31: {  	[smem:$0x3FB9] =	sst s10  }
0x32: {  	s10 =	sld [smem:$0x3FB7];
	_ =	sdelay $0x3  }
0x33: {  	p0 =	seq.s32 s10, $0x1;
	s10 =	sld [smem:$0x3FB9];
	_ =	sdelay $0x3  }
0x34: {  	[smem:$0x3FB9] =	sst s10  }
0x35: {  	s10 =	sld [smem:$0x3FB8];
	_ =	sdelay $0x3  }
0x36: {  	p1 =	seq.s32 s10, $0x1;
	s10 =	sld [smem:$0x3FB9];
	_ =	sdelay $0x3  }
0x37: {  	[smem:$0x3FB9] =	sst s10  }
0x38: {  	s10 =	sld [smem:$0x3FBA]  }
0x39: {  	_ = 	snop;
	(pc) =	sbr.ind lr, $3  }
0x3a: {  	_ = 	snop  }
0x3b: {  	_ = 	snop  }
0x3c: {  	p2 =	seq.s32 s10, $0x1;
	s10 =	sld [smem:$0x3FB9]  }
0x3d: {  	_ =	shalt  }
0x3e: {  	_ =	shalt  }
0x3f: {  	_ =	shalt  }
0x40: {  	_ =	shalt  }
0x41: {  	_ =	shalt  }
0x42: {  	_ =	shalt  }
0x43: {  	_ =	shalt  }
0x44: {  	_ =	shalt  }
0x45: {  	_ =	shalt  }
0x46: {  	_ =	shalt  }
0x47: {  	_ =	shalt  }
0x48: {  	_ =	shalt  }
0x49: {  	_ =	shalt  }
0x4a: {  	_ =	shalt  }
0x4b: {  	_ =	shalt  }
0x4c: {  	_ =	shalt  }
0x4d: {  	_ =	shalt  }
0x4e: {  	_ =	shalt  }
0x4f: {  	_ =	shalt  }
0x50: {  	_ =	shalt  }
0x51: {  	_ =	shalt  }
0x52: {  	_ =	shalt  }
0x53: {  	_ =	shalt  }
0x54: {  	_ =	shalt  }
0x55: {  	_ =	shalt  }
0x56: {  	_ =	shalt  }
0x57: {  	_ =	shalt  }
0x58: {  	_ =	shalt  }
0x59: {  	_ =	shalt  }
0x5a: {  	_ =	shalt  }
0x5b: {  	_ =	shalt  }
0x5c: {  	_ =	shalt  }
0x5d: {  	_ =	shalt  }
0x5e: {  	_ =	shalt  }
0x5f: {  	_ =	shalt  }
0x60: {  	_ =	shalt  }
0x61: {  	_ =	shalt  }
0x62: {  	_ =	shalt  }
0x63: {  	_ =	shalt  }
0x64: {  	_ =	shalt  }
0x65: {  	_ =	shalt  }
0x66: {  	_ =	shalt  }
0x67: {  	_ =	shalt  }
0x68: {  	_ =	shalt  }
0x69: {  	_ =	shalt  }
0x6a: {  	_ =	shalt  }
0x6b: {  	_ =	shalt  }
0x6c: {  	_ =	shalt  }
0x6d: {  	_ =	shalt  }
0x6e: {  	_ =	shalt  }
0x6f: {  	_ =	shalt  }
0x70: {  	_ =	shalt  }
0x71: {  	_ =	shalt  }
0x72: {  	_ =	shalt  }
0x73: {  	_ =	shalt  }
0x74: {  	_ =	shalt  }
0x75: {  	_ =	shalt  }
0x76: {  	_ =	shalt  }
0x77: {  	_ =	shalt  }
0x78: {  	_ =	shalt  }
0x79: {  	_ =	shalt  }
0x7a: {  	_ =	shalt  }
0x7b: {  	_ =	shalt  }
0x7c: {  	_ =	shalt  }
0x7d: {  	_ =	shalt  }
0x7e: {  	_ =	shalt  }
0x7f: {  	_ =	shalt  }
0x80: {  	_ =	shalt  }
0x81: {  	_ =	shalt  }
0x82: {  	_ =	shalt  }
0x83: {  	_ =	shalt  }
0x84: {  	_ =	shalt  }
0x85: {  	_ =	shalt  }
0x86: {  	_ =	shalt  }
0x87: {  	_ =	shalt  }
.Lfunc_end0:
.L_simem_size_0:
called_computation_lowered:
.L_overlay_start_0:
0x88: {  	s2 =	sld [smem:$0x3FD9]  }
0x89: {  	s3 =	sld [smem:$0x3FFE];
	_ =	sdelay $0x1  }
0x8a: {  	s1 =	srdreg.scid  }
0x8b: {  	s0 =	sand.u32 $0x1, s1  }
0x8c: {  	s17 =	sshll.u32 s0, $0xA;
	s2 =	sadd.s32 s3, s2  }
0x8d: {  	s2 =	sadd.s32 s2, s17  }
0x8e: {  	[smem:$0x3FC5] =	sst s2  }
0x8f: {  	_ = 	snop  }
0x90: {  	s2 =	sld [smem:$0x3FD0];
	(tm) =	ssettm $0x1  }
0x91: {  	s18 =	sld [smem:$0x3FFB];
	_ =	sdelay $0x3  }
0x92: {  	_ =	strace s18  }
0x93: {  	s3 =	sld [smem:$0x3FFC];
	_ =	sdelay $0x3  }
0x94: {  	_ =	strace s3  }
0x95: {  	s3 =	sld [smem:$0x3FFD];
	_ =	sdelay $0x3  }
0x96: {  	_ =	strace s3  }
0x97: {  	_ =	strace $0x8FFFFFFF  }
0x98: {  	s19 =	sld [smem:$0x3FDB];
	_ =	sdelay $0x1  }
0x99: {  	s4 =	simm.s32 $_scs_section_size  }
0x9a: {  	s5 =	simm.s32 $_size__tile_overlayer_lowered;
	s6 =	simm.s32 $_tile_overlayer_lowered  }
0x9b: {  	s22 =	simm.s32 $0x1BFF;
	s21 =	sshll.u32 s6, $0x1;
	s3 =	sadd.s32 s4, s19  }
0x9c: {  	s7 =	simm.s32 $0x0;
	s20 =	sshll.u32 s5, $0x1;
	s5 =	sadd.s32 s21, s3  }
0x9d: {  	[timem:s7], [sflag:s22] =	dma.local [hbm:s5], s20  }
0x9e: {  	_ =	swait.ge [sflag:s22], s20  }
0x9f: {  	s4 =	ssub.s32 $0x0, s20;
	[sflag:s22] =	ssyncset.done $0x0  }
0xa0: {  	[sflag:s22] =	ssyncadd.s32 s4;
	_ =	sdelay $0x1  }
0xa1: {  	s23 =	simm.s32 $0x1B8B  }
0xa2: {  	_ =	swait.ge [sflag:s23], $0x1  }
0xa3: {  	[sflag:s23] =	ssyncset.done $0x0  }
0xa4: {  	s25 =	simm.s32 $0x1B8E;
	s24 =	sld [smem:$0x3FFE];
	[sflag:s23] =	ssyncadd.s32 $0xFFFFFFFF  }
0xa5: {  	s26 =	simm.s32 $execute0_lowered;
	[smem:$0x3FD2] =	sst s25  }
0xa6: {  	s5 =	sshll.u32 s26, $0x1;
	_ =	strace $0x80000046;
	[dreg:$0x1] =	wrdreg $0xFFFFFFFF  }
0xa7: {  	s28 =	simm.s32 $_size_execute0_lowered;
	s3 =	sadd.s32 s3, s5;
	[dreg:$0x0] =	wrdreg $0x0  }
0xa8: {  	s5 =	sshll.u32 s28, $0x1;
	[dreg:$0x2] =	wrdreg s3  }
0xa9: {  	[dreg:$0x3] =	wrdreg s5  }
0xaa: {  	[dreg:$0x4] =	wrdreg $0xC0  }
0xab: {  	_ =	task [dreg:s7], $0x5FFFF  }
0xac: {  	[dreg:$0x1] =	wrdreg $0xFFFFFFFF  }
0xad: {  	[dreg:$0x0] =	wrdreg $0x60  }
0xae: {  	[dreg:$0x2] =	wrdreg s24  }
0xaf: {  	[dreg:$0x3] =	wrdreg s2  }
0xb0: {  	[dreg:$0x4] =	wrdreg $0x9  }
0xb1: {  	_ =	task.clear_ibuf [dreg:s7], $0x5FFFF;
	_ =	strace $0x90000046  }
0xb2: {  	s29 =	simm.s32 $0x9;
	_ =	strace $0x80000048  }
0xb3: {  	_ =	swait.ge [sflag:s29], $0x1  }
0xb4: {  	[sflag:s29] =	ssyncadd.s32 $0xFFFFFFFF  }
0xb5: {  	_ =	strace $0x90000048  }
0xb6: {  	_ =	sfence  }
0xb7: {  	s30 =	sld [smem:$0x0];
	_ =	sdelay $0x2  }
0xb8: {  	s31 =	sshll.u32 s1, $0xD;
	s1 =	sshrl.u32 s1, $0x2  }
0xb9: {  	s3 =	sand.u32 $0x4000, s31;
	s1 =	sadd.s32 s1, s30  }
0xba: {  	s0 =	sor.u32 s3, s0;
	s1 =	sshll.u32 s1, $0x11  }
0xbb: {  	s0 =	sor.u32 s1, s0  }
0xbc: {  	s0 =	sadd.s32 $0x8F2B, s0  }
0xbd: {  	[sflag:s0] =	ssyncadd.remote.s32 $0x1  }
0xbe: {  	_ =	sfence.sel $0xFFFF  }
0xbf: {  	[dreg:$0x0] =	wrdreg $0xFFFFFFFF;
	(pc) =	sbr.abs _section_cstart, $3  }
0xc0: {  	[dreg:$0x1] =	wrdreg $0xFFFFFFFF  }
0xc1: {  	_ =	task.clear_ibuf [dreg:s7], $0x2FFFF;
	_ =	strace $0x9FFFFFFF  }
0xc2: {  	(tm) =	ssettm $0x7FFFFFFF  }
0xc3: {  	_ =	shalt  }
tec
execute0_lowered:
.L_overlay_start_1:
0x0: {  	(tag) =	ssettag $0x1  }
0x1: {  	s6 =	rddreg [dreg:$0x0]  }
0x2: {  	s1 =	rddreg [dreg:$0x1]  }
0x3: {  	s0 =	rddreg [dreg:$0x2]  }
0x4: {  	s3 =	simm.s32 $0x0;
	s4 =	srdreg.scid;
	s2 =	stileid.u32  }
0x5: {  	s9 =	simm.s32 $0x1;
	s10 =	simm.s32 $0x80;
	s11 =	simm.s32 $0x400  }
0x6: {  	s12 =	simm.s32 $0xA800;
	s13 =	simm.s32 $0xAB00;
	s14 =	simm.s32 $0x0  }
.Ltmp0:
0x7: {  	[smem:$0x7FF] =	sst s3;
	s4 =	sand.u32 $0x1, s4;
	(pc) =	sbr.rel .LBB2_1-.Ltmp0, $4  }
0x8: {  	s5 =	sshll.u32 s2, $0x4;
	s7 =	ssub.s32 $0x2, s4;
	s4 =	sshll.u32 s4, $0x3  }
0x9: {  	_ =	strace $0x80000047;
	s8 =	sshrl.u32 s7, $0x1;
	s4 =	sor.u32 s4, s5  }
0xa: {  	s5 =	sadd.s32 $0x800, s6;
	s8 =	ssub.s32 s7, s8;
	s31 =	sshrl.u32 s4, $0x3  }
0xb: {  	v0 =	vlaneseq.u32;
	v1 =	vimm.s32 $0x1FF;
	v2 =	vimm.s32 $0xFFFFFFFF;
	s6 =	sadd.s32 $0x150800, s6;
	s7 =	smul.u32 $0x1800, s31;
	s8 =	smax.u32 s8, $0x1  }
.LBB2_11:
0xc: {  	s14 =	sadd.s32 $0x1, s14  }
0xd: {  	p0 =	sne.s32 s14, s8  }
.Ltmp1:
0xe: {  	_ = 	snop;
	(pc) =	sbr.rel @!p0 .LBB2_12-.Ltmp1, $1  }
0xf: {  	_ =	sdelay $0x3  }
.LBB2_1:
.Ltmp2:
0x10: {  	(pc) =	sbr.rel .LBB2_2-.Ltmp2, $2  }
0x11: {  	_ =	sdelay $0x2  }
0x12: {  	s15 =	simm.s32 $0x0  }
.LBB2_10:
0x13: {  	s16 =	smul.u32 $0xA80, s16;
	s15 =	sadd.s32 $0x1, s15  }
0x14: {  	p0 =	sne.s32 s15, $0x8  }
.Ltmp3:
0x15: {  	s16 =	sadd.s32 s6, s16;
	(pc) =	sbr.rel @!p0 .LBB2_11-.Ltmp3, $4  }
0x16: {  	[hbm4b:s16+s3] =	stream.linear.scatter [tilespmem:s13], [sflag:$0x1], $0x5400, $0x38;
	[tilespmem:$0xFF00] =	vst v63  }
0x17: {  	_ =	swait.ge [sflag:s9], $0x5400  }
0x18: {  	[sflag:s9] =	ssyncset.done $0x0  }
0x19: {  	[sflag:s9] =	ssyncadd.s32 $0xFFFFAC00  }
.LBB2_2:
0x1a: {  	s16 =	sor.u32 s4, s15  }
0x1b: {  	s17 =	smul.u32 $0x1500, s16;
	_ =	sdelay $0x1  }
0x1c: {  	s31 =	sshll.u32 s15, $0x7;
	s18 =	sadd.s32 s5, s17;
	s17 =	simm.s32 $0x0  }
0x1d: {  	[tilespmem:s17], [sflag:$0x1] =	stream.linear.gather [hbm4b:s18+s17], $0xA800, $0x38;
	[tilespmem:$0xFF00] =	vst v63  }
0x1e: {  	s18 =	sadd.s32 s7, s31;
	_ =	swait.ge [sflag:s9], $0xA800  }
0x1f: {  	s18 =	sshrl.u32 s18, $0x3;
	[sflag:s9] =	ssyncset.done $0x0  }
0x20: {  	s18 =	sadd.s32 s1, s18;
	[sflag:s9] =	ssyncadd.s32 $0xFFFF5800  }
0x21: {  	[tilespmem:s12], [sflag:$0x1] =	stream.strided.gather [hbm4b:s18+s10], $0x300, s11, s10, $0x38;
	[tilespmem:$0xFF00] =	vst v63  }
0x22: {  	_ =	swait.ge [sflag:s9], $0x300  }
0x23: {  	[sflag:s9] =	ssyncset.done $0x0  }
0x24: {  	s19 =	simm.s32 $0x0;
	s18 =	simm.s32 $0x0;
	[sflag:s9] =	ssyncadd.s32 $0xFFFFFD00  }
.LBB2_3:
0x25: {  	_ =	sdelay $0x3  }
0x26: {  	v3 =	vld.idx.msk [tilespmem:v1+s12+$0x0], $0xffff;
	_ =	sdelay $0x1  }
0x27: {  	s20 =	sshll.u32 s19, $0x4  }
0x28: {  	s21 =	sor.u32 $0x1, s20  }
0x29: {  	v4 =	vadd.s32 s21, v0  }
0x2a: {  	vm0 =	vlt.s32 v3, v4  }
0x2b: {  	v3 =	vsel vm0, $0x1FF, v2  }
0x2c: {  	v5 =	vadd.s32 $0x100, v3;
	_ =	sdelay $0x4  }
0x2d: {  	v6 =	vld.idx.msk [tilespmem:v5+s12+$0x0], $0xffff;
	_ =	sdelay $0x4  }
0x2e: {  	vm7 =	vlt.s32 v6, v4  }
0x2f: {  	v3 =	vsel vm7, v5, v3  }
0x30: {  	vm0 =	vlt.s32 v3, $0x27F  }
0x31: {  	v5 =	vnsel vm0, $0x27F, v3  }
0x32: {  	v5 =	vadd.s32 $0x80, v5;
	_ =	sdelay $0x4  }
0x33: {  	v6 =	vld.idx.msk [tilespmem:v5+s12+$0x0], $0xffff;
	_ =	sdelay $0x4  }
0x34: {  	vm8 =	vlt.s32 v6, v4  }
0x35: {  	v3 =	vsel vm8, v5, v3  }
0x36: {  	vm0 =	vlt.s32 v3, $0x2BF  }
0x37: {  	v5 =	vnsel vm0, $0x2BF, v3  }
0x38: {  	v5 =	vadd.s32 $0x40, v5;
	_ =	sdelay $0x4  }
0x39: {  	v6 =	vld.idx.msk [tilespmem:v5+s12+$0x0], $0xffff;
	_ =	sdelay $0x4  }
0x3a: {  	vm9 =	vlt.s32 v6, v4  }
0x3b: {  	v3 =	vsel vm9, v5, v3  }
0x3c: {  	vm0 =	vlt.s32 v3, $0x2DF  }
0x3d: {  	v5 =	vnsel vm0, $0x2DF, v3  }
0x3e: {  	v5 =	vadd.s32 $0x20, v5;
	_ =	sdelay $0x4  }
0x3f: {  	v6 =	vld.idx.msk [tilespmem:v5+s12+$0x0], $0xffff;
	_ =	sdelay $0x4  }
0x40: {  	vm10 =	vlt.s32 v6, v4  }
0x41: {  	v3 =	vsel vm10, v5, v3  }
0x42: {  	vm0 =	vlt.s32 v3, $0x2EF  }
0x43: {  	v5 =	vnsel vm0, $0x2EF, v3  }
0x44: {  	v5 =	vadd.s32 $0x10, v5;
	_ =	sdelay $0x4  }
0x45: {  	v6 =	vld.idx.msk [tilespmem:v5+s12+$0x0], $0xffff;
	_ =	sdelay $0x4  }
0x46: {  	vm11 =	vlt.s32 v6, v4  }
0x47: {  	v3 =	vsel vm11, v5, v3  }
0x48: {  	vm0 =	vlt.s32 v3, $0x2F7  }
0x49: {  	v5 =	vnsel vm0, $0x2F7, v3  }
0x4a: {  	v5 =	vadd.s32 $0x8, v5;
	_ =	sdelay $0x4  }
0x4b: {  	v6 =	vld.idx.msk [tilespmem:v5+s12+$0x0], $0xffff;
	_ =	sdelay $0x4  }
0x4c: {  	vm12 =	vlt.s32 v6, v4  }
0x4d: {  	v3 =	vsel vm12, v5, v3  }
0x4e: {  	vm0 =	vlt.s32 v3, $0x2FB  }
0x4f: {  	v5 =	vnsel vm0, $0x2FB, v3  }
0x50: {  	v5 =	vadd.s32 $0x4, v5;
	_ =	sdelay $0x4  }
0x51: {  	v6 =	vld.idx.msk [tilespmem:v5+s12+$0x0], $0xffff;
	_ =	sdelay $0x4  }
0x52: {  	vm13 =	vlt.s32 v6, v4  }
0x53: {  	v3 =	vsel vm13, v5, v3  }
0x54: {  	vm0 =	vlt.s32 v3, $0x2FD  }
0x55: {  	v5 =	vnsel vm0, $0x2FD, v3  }
0x56: {  	v5 =	vadd.s32 $0x2, v5;
	_ =	sdelay $0x4  }
0x57: {  	v6 =	vld.idx.msk [tilespmem:v5+s12+$0x0], $0xffff;
	_ =	sdelay $0x4  }
0x58: {  	vm14 =	vlt.s32 v6, v4  }
0x59: {  	v3 =	vsel vm14, v5, v3  }
0x5a: {  	vm0 =	vlt.s32 v3, $0x2FE  }
0x5b: {  	v5 =	vnsel vm0, $0x2FE, v3  }
0x5c: {  	v5 =	vadd.s32 $0x1, v5;
	_ =	sdelay $0x4  }
0x5d: {  	v6 =	vld.idx.msk [tilespmem:v5+s12+$0x0], $0xffff;
	_ =	sdelay $0x4  }
0x5e: {  	s29 =	simm.s32 $0x0;
	vm15 =	vlt.s32 v6, v4  }
0x5f: {  	v3 =	vsel vm15, v5, v3;
	v5 =	vmov s29  }
0x60: {  	v3 =	vadd.s32 $0x1, v3;
	v4 =	vshrl.u32 v5, $0x3  }
0x61: {  	v6 =	vshll.u32 v3, $0x3;
	v7 =	vmul.u32 $0x1800, v4  }
0x62: {  	v5 =	vshll.u32 v5, $0x7;
	v4 =	vand.u32 $0x7FFFFC00, v6  }
0x63: {  	v5 =	vand.u32 $0x380, v5;
	v6 =	vadd.s32 v4, v7  }
0x64: {  	s30 =	simm.s32 $0x1;
	v3 =	vand.u32 $0x7F, v3;
	v5 =	vor.u32 v5, v6  }
0x65: {  	v6 =	vor.u32 v3, v5;
	v5 =	vmov s30  }
0x66: {  	v7 =	vshrl.u32 v5, $0x3  }
0x67: {  	v7 =	vmul.u32 $0x1800, v7  }
0x68: {  	v5 =	vshll.u32 v5, $0x7  }
0x69: {  	s31 =	simm.s32 $0x0;
	s20 =	sand.u32 $0x70, s20;
	v8 =	vand.u32 $0x380, v5;
	v7 =	vadd.s32 v4, v7  }
0x6a: {  	s22 =	sshll.u32 s19, $0x7;
	s23 =	simm.s32 $0x2;
	s21 =	smul.u32 $0x3000, s31;
	v5 =	vmov s20;
	v6 =	vld.idx.msk [tilespmem:v6+s3+$0x0], $0xffff;
	v7 =	vor.u32 v8, v7  }
0x6b: {  	s22 =	sand.u32 $0xC00, s22;
	v8 =	vmov s23;
	v7 =	vor.u32 v3, v7  }
0x6c: {  	s24 =	simm.s32 $0x0;
	s21 =	sshra.s32 s21, $0x2;
	s20 =	sadd.s32 $0xAB00, s22;
	v9 =	vshrl.u32 v8, $0x3  }
0x6d: {  	s22 =	sand.u32 $0x380, s24;
	s21 =	sadd.s32 s21, s20;
	v9 =	vmul.u32 $0x1800, v9  }
0x6e: {  	s21 =	sadd.s32 s22, s21;
	v8 =	vshll.u32 v8, $0x7  }
0x6f: {  	s25 =	simm.s32 $0x0;
	v8 =	vand.u32 $0x380, v8;
	[tilespmem:v5+s21+$0x0 ss:$0x1] =	vst.idx.msk $0xffff, v6;
	v6 =	vadd.s32 v4, v9  }
0x70: {  	s26 =	simm.s32 $0x3;
	s21 =	smul.u32 $0x3000, s25;
	v7 =	vld.idx.msk [tilespmem:v7+s3+$0x0], $0xffff;
	v6 =	vor.u32 v8, v6  }
0x71: {  	v8 =	vmov s26;
	v6 =	vor.u32 v3, v6  }
0x72: {  	s28 =	simm.s32 $0x80;
	s21 =	sshra.s32 s21, $0x2;
	v60 =	vshrl.u32 v8, $0x3  }
0x73: {  	s22 =	sand.u32 $0x380, s28;
	s21 =	sadd.s32 s21, s20;
	v9 =	vmul.u32 $0x1800, v60  }
0x74: {  	v8 =	vshll.u32 v8, $0x7;
	s21 =	sadd.s32 s22, s21  }
0x75: {  	s29 =	simm.s32 $0x0;
	v8 =	vand.u32 $0x380, v8;
	[tilespmem:v5+s21+$0x0 ss:$0x1] =	vst.idx.msk $0xffff, v7;
	v7 =	vadd.s32 v4, v9  }
0x76: {  	s30 =	simm.s32 $0x4;
	s21 =	smul.u32 $0x3000, s29;
	v6 =	vld.idx.msk [tilespmem:v6+s3+$0x0], $0xffff;
	v7 =	vor.u32 v8, v7  }
0x77: {  	v8 =	vmov s30;
	v7 =	vor.u32 v3, v7  }
0x78: {  	s31 =	simm.s32 $0x100;
	s21 =	sshra.s32 s21, $0x2;
	v61 =	vshrl.u32 v8, $0x3  }
0x79: {  	s22 =	sand.u32 $0x380, s31;
	s21 =	sadd.s32 s21, s20;
	v9 =	vmul.u32 $0x1800, v61  }
0x7a: {  	v8 =	vshll.u32 v8, $0x7;
	s21 =	sadd.s32 s22, s21  }
0x7b: {  	s23 =	simm.s32 $0x0;
	v8 =	vand.u32 $0x380, v8;
	[tilespmem:v5+s21+$0x0 ss:$0x1] =	vst.idx.msk $0xffff, v6;
	v6 =	vadd.s32 v4, v9  }
0x7c: {  	s24 =	simm.s32 $0x5;
	s21 =	smul.u32 $0x3000, s23;
	v7 =	vld.idx.msk [tilespmem:v7+s3+$0x0], $0xffff;
	v6 =	vor.u32 v8, v6  }
0x7d: {  	v8 =	vmov s24;
	v6 =	vor.u32 v3, v6  }
0x7e: {  	s25 =	simm.s32 $0x180;
	s21 =	sshra.s32 s21, $0x2;
	v62 =	vshrl.u32 v8, $0x3  }
0x7f: {  	s22 =	sand.u32 $0x380, s25;
	s21 =	sadd.s32 s21, s20;
	v9 =	vmul.u32 $0x1800, v62  }
0x80: {  	v8 =	vshll.u32 v8, $0x7;
	s21 =	sadd.s32 s22, s21  }
0x81: {  	p1 =	por $0x1, $0x1;
	s28 =	simm.s32 $0x0;
	v8 =	vand.u32 $0x380, v8;
	[tilespmem:v5+s21+$0x0 ss:$0x1] =	vst.idx.msk $0xffff, v7;
	v7 =	vadd.s32 v4, v9  }
0x82: {  	s25 =	simm.s32 $0x6;
	s23 =	sand.u32 $0x7, s17;
	s21 =	smul.u32 $0x3000, s28;
	v6 =	vld.idx.msk [tilespmem:v6+s3+$0x0], $0xffff;
	v7 =	vor.u32 v8, v7  }
0x83: {  	s26 =	sshll.u32 s18, $0x2;
	s29 =	simm.s32 $0x200;
	s23 =	sshll.u32 s23, $0x6;
	v8 =	vmov s25;
	v7 =	vor.u32 v3, v7  }
.Ltmp4:
0x84: {  	s22 =	sand.u32 $0xFFFFF000, s26;
	s21 =	sshra.s32 s21, $0x2;
	v63 =	vshrl.u32 v8, $0x3;
	(pc) =	sbr.rel @!p1 .LBB2_4-.Ltmp4, $4  }
0x85: {  	s22 =	sor.u32 s23, s22;
	s23 =	sand.u32 $0x380, s29;
	s24 =	sadd.s32 s21, s20;
	v9 =	vmul.u32 $0x1800, v63  }
0x86: {  	s31 =	simm.s32 $0x0;
	v8 =	vshll.u32 v8, $0x7;
	s30 =	sadd.s32 s23, s24  }
0x87: {  	p0 =	por $0x0, $0x0;
	s26 =	smul.u32 $0x3000, s31;
	s22 =	sshrl.u32 s22, $0x2;
	v8 =	vand.u32 $0x380, v8;
	v9 =	vadd.s32 v4, v9;
	[tilespmem:v5+s30+$0x0 ss:$0x1] =	vst.idx.msk $0xffff, v6  }
0x88: {  	s21 =	sadd.s32 $0xAE00, s22;
	s22 =	simm.s32 $0xD;
	s23 =	simm.s32 $0x280;
	v6 =	vld.idx.msk [tilespmem:v7+s3+$0x0], $0xffff;
	v7 =	vor.u32 v8, v9  }
0x89: {  	s24 =	simm.s32 $0x7  }
0x8a: {  	v7 =	vor.u32 v3, v7;
	v8 =	vmov s24  }
0x8b: {  	s25 =	sshra.s32 s26, $0x2;
	v9 =	vshrl.u32 v8, $0x3  }
0x8c: {  	s23 =	sand.u32 $0x380, s23;
	s24 =	sadd.s32 s25, s20;
	v9 =	vmul.u32 $0x1800, v9  }
0x8d: {  	s23 =	sadd.s32 s23, s24;
	v8 =	vshll.u32 v8, $0x7  }
0x8e: {  	v8 =	vand.u32 $0x380, v8;
	[tilespmem:v5+s23+$0x0 ss:$0x1] =	vst.idx.msk $0xffff, v6;
	v6 =	vadd.s32 v4, v9  }
0x8f: {  	s26 =	simm.s32 $0x0;
	s28 =	simm.s32 $0x8;
	v7 =	vld.idx.msk [tilespmem:v7+s3+$0x0], $0xffff;
	v6 =	vor.u32 v8, v6  }
0x90: {  	s23 =	smul.u32 $0x3000, s26;
	v8 =	vmov s28;
	v6 =	vor.u32 v3, v6  }
0x91: {  	v58 =	vshrl.u32 v8, $0x3  }
0x92: {  	s23 =	sshra.s32 s23, $0x2;
	v9 =	vmul.u32 $0x1800, v58  }
0x93: {  	s23 =	sadd.s32 s23, s21;
	v8 =	vshll.u32 v8, $0x7  }
0x94: {  	s29 =	simm.s32 $0x0;
	v8 =	vand.u32 $0x380, v8;
	[tilespmem:s23+$0x0] =	vst v7;
	v7 =	vadd.s32 v4, v9  }
0x95: {  	s30 =	simm.s32 $0x9;
	s23 =	smul.u32 $0x3000, s29;
	v7 =	vor.u32 v8, v7;
	v6 =	vld.idx.msk [tilespmem:v6+s3+$0x0], $0xffff  }
0x96: {  	v8 =	vmov s30;
	v7 =	vor.u32 v3, v7  }
0x97: {  	s31 =	simm.s32 $0x380;
	s23 =	sshra.s32 s23, $0x2;
	v59 =	vshrl.u32 v8, $0x3  }
0x98: {  	s24 =	sand.u32 $0x380, s31;
	s23 =	sadd.s32 s23, s20;
	v9 =	vmul.u32 $0x1800, v59  }
0x99: {  	v8 =	vshll.u32 v8, $0x7;
	s23 =	sadd.s32 s24, s23  }
0x9a: {  	s25 =	simm.s32 $0x1;
	v8 =	vand.u32 $0x380, v8;
	[tilespmem:v5+s23+$0x0 ss:$0x1] =	vst.idx.msk $0xffff, v6;
	v6 =	vadd.s32 v4, v9  }
0x9b: {  	s26 =	simm.s32 $0xA;
	s23 =	smul.u32 $0x3000, s25;
	v7 =	vld.idx.msk [tilespmem:v7+s3+$0x0], $0xffff;
	v6 =	vor.u32 v8, v6  }
0x9c: {  	v8 =	vmov s26;
	v6 =	vor.u32 v3, v6  }
0x9d: {  	s28 =	simm.s32 $0x400;
	s23 =	sshra.s32 s23, $0x2;
	v60 =	vshrl.u32 v8, $0x3  }
0x9e: {  	s24 =	sand.u32 $0x380, s28;
	s23 =	sadd.s32 s23, s20;
	v9 =	vmul.u32 $0x1800, v60  }
0x9f: {  	v8 =	vshll.u32 v8, $0x7;
	s23 =	sadd.s32 s24, s23  }
0xa0: {  	s29 =	simm.s32 $0x1;
	v8 =	vand.u32 $0x380, v8;
	[tilespmem:v5+s23+$0x0 ss:$0x1] =	vst.idx.msk $0xffff, v7;
	v7 =	vadd.s32 v4, v9  }
0xa1: {  	s30 =	simm.s32 $0xB;
	s23 =	smul.u32 $0x3000, s29;
	v6 =	vld.idx.msk [tilespmem:v6+s3+$0x0], $0xffff;
	v7 =	vor.u32 v8, v7  }
0xa2: {  	v8 =	vmov s30;
	v7 =	vor.u32 v3, v7  }
0xa3: {  	s31 =	simm.s32 $0x480;
	s23 =	sshra.s32 s23, $0x2;
	v61 =	vshrl.u32 v8, $0x3  }
0xa4: {  	s24 =	sand.u32 $0x380, s31;
	s23 =	sadd.s32 s23, s20;
	v9 =	vmul.u32 $0x1800, v61  }
0xa5: {  	v8 =	vshll.u32 v8, $0x7;
	s23 =	sadd.s32 s24, s23  }
0xa6: {  	s25 =	simm.s32 $0x1;
	v8 =	vand.u32 $0x380, v8;
	[tilespmem:v5+s23+$0x0 ss:$0x1] =	vst.idx.msk $0xffff, v6;
	v6 =	vadd.s32 v4, v9  }
0xa7: {  	s26 =	simm.s32 $0xC;
	s23 =	smul.u32 $0x3000, s25;
	v7 =	vld.idx.msk [tilespmem:v7+s3+$0x0], $0xffff;
	v6 =	vor.u32 v8, v6  }
0xa8: {  	v8 =	vmov s26;
	v6 =	vor.u32 v3, v6  }
0xa9: {  	s28 =	simm.s32 $0x500;
	s23 =	sshra.s32 s23, $0x2;
	v62 =	vshrl.u32 v8, $0x3  }
0xaa: {  	s24 =	sand.u32 $0x380, s28;
	s23 =	sadd.s32 s23, s20;
	v9 =	vmul.u32 $0x1800, v62  }
0xab: {  	v8 =	vshll.u32 v8, $0x7;
	s23 =	sadd.s32 s24, s23  }
0xac: {  	s29 =	simm.s32 $0x1;
	v8 =	vand.u32 $0x380, v8;
	[tilespmem:v5+s23+$0x0 ss:$0x1] =	vst.idx.msk $0xffff, v7;
	v7 =	vadd.s32 v4, v9  }
0xad: {  	s23 =	smul.u32 $0x3000, s29;
	v6 =	vld.idx.msk [tilespmem:v6+s3+$0x0], $0xffff;
	v7 =	vor.u32 v8, v7  }
0xae: {  	p1 =	por $0x1, $0x1;
	v8 =	vmov s22;
	v7 =	vor.u32 v3, v7  }
.Ltmp5:
0xaf: {  	s30 =	simm.s32 $0x580;
	s23 =	sshra.s32 s23, $0x2;
	v63 =	vshrl.u32 v8, $0x3;
	(pc) =	sbr.rel @!p1 .LBB2_6-.Ltmp5, $4  }
0xb0: {  	s24 =	sand.u32 $0x380, s30;
	s23 =	sadd.s32 s23, s20;
	v9 =	vmul.u32 $0x1800, v63  }
0xb1: {  	v8 =	vshll.u32 v8, $0x7;
	s24 =	sadd.s32 s24, s23  }
0xb2: {  	p0 =	por $0x1, $0x1;
	s31 =	simm.s32 $0x1;
	s25 =	simm.s32 $0x14;
	v8 =	vand.u32 $0x380, v8;
	v9 =	vadd.s32 v4, v9;
	[tilespmem:v5+s24+$0x0 ss:$0x1] =	vst.idx.msk $0xffff, v6  }
0xb3: {  	s26 =	smul.u32 $0x3000, s31;
	s23 =	simm.s32 $0x600;
	s24 =	smov.u32 s21;
	v6 =	vld.idx.msk [tilespmem:v7+s3+$0x0], $0xffff;
	v7 =	vor.u32 v8, v9  }
.LBB2_7:
0xb4: {  	s28 =	sadd.s32 $0xFFFFFFFA, s25;
	v7 =	vor.u32 v3, v7  }
0xb5: {  	v8 =	vmov s28;
	p1 =	slt.u32 s28, $0x2A;
	s26 =	sshra.s32 s26, $0x2  }
0xb6: {  	s29 =	sand.u32 $0x380, s23;
	v9 =	vshrl.u32 v8, $0x3;
	s26 =	sadd.s32 s26, s20  }
0xb7: {  	v9 =	vmul.u32 $0x1800, v9;
	s26 =	sadd.s32 s29, s26  }
0xb8: {  	v8 =	vshll.u32 v8, $0x7;
	[tilespmem:v5+s26+$0x0 ss:$0x1] =	vst.idx.msk $0xffff, v6  }
0xb9: {  	v8 =	vand.u32 $0x380, v8;
	v6 =	vadd.s32 v4, v9;
	v7 =	vld.idx.msk [tilespmem:v7+s3+$0x0], $0xffff  }
0xba: {  	s26 =	sshrl.u32 s22, $0x3;
	s22 =	smov.u32 s25;
	v6 =	vor.u32 v8, v6  }
0xbb: {  	s29 =	sadd.s32 $0xFFFFFFFB, s25;
	s26 =	smul.u32 $0x3000, s26;
	v6 =	vor.u32 v3, v6  }
0xbc: {  	v8 =	vmov s29  }
0xbd: {  	s24 =	sadd.s32 $0xFFFFFF80, s24;
	v9 =	vshrl.u32 v8, $0x3;
	s26 =	sshra.s32 s26, $0x2  }
0xbe: {  	v9 =	vmul.u32 $0x1800, v9;
	s26 =	sadd.s32 s26, s24  }
0xbf: {  	v8 =	vshll.u32 v8, $0x7;
	[tilespmem:s26+$0x0] =	vst v7  }
0xc0: {  	v8 =	vand.u32 $0x380, v8;
	s26 =	sshrl.u32 s28, $0x3;
	v7 =	vadd.s32 v4, v9;
	v6 =	vld.idx.msk [tilespmem:v6+s3+$0x0], $0xffff  }
0xc1: {  	s26 =	smul.u32 $0x3000, s26;
	v7 =	vor.u32 v8, v7  }
0xc2: {  	s23 =	sadd.s32 $0x380, s23;
	s28 =	sadd.s32 $0xFFFFFFFC, s25;
	v7 =	vor.u32 v3, v7  }
0xc3: {  	s30 =	sadd.s32 $0xFFFFFD80, s23;
	v8 =	vmov s28;
	s26 =	sshra.s32 s26, $0x2  }
0xc4: {  	s30 =	sand.u32 $0x380, s30;
	v9 =	vshrl.u32 v8, $0x3;
	s26 =	sadd.s32 s26, s20  }
0xc5: {  	v9 =	vmul.u32 $0x1800, v9;
	s26 =	sadd.s32 s30, s26  }
0xc6: {  	[tilespmem:v5+s26+$0x0 ss:$0x1] =	vst.idx.msk $0xffff, v6;
	v6 =	vshll.u32 v8, $0x7  }
0xc7: {  	s26 =	sshrl.u32 s29, $0x3;
	v8 =	vadd.s32 v4, v9;
	v7 =	vld.idx.msk [tilespmem:v7+s3+$0x0], $0xffff;
	v6 =	vand.u32 $0x380, v6  }
0xc8: {  	s26 =	smul.u32 $0x3000, s26;
	v6 =	vor.u32 v6, v8  }
0xc9: {  	s29 =	sadd.s32 $0xFFFFFFFD, s25;
	v6 =	vor.u32 v3, v6  }
0xca: {  	s30 =	sadd.s32 $0xFFFFFE00, s23;
	v8 =	vmov s29;
	s26 =	sshra.s32 s26, $0x2  }
0xcb: {  	s30 =	sand.u32 $0x380, s30;
	v9 =	vshrl.u32 v8, $0x3;
	s26 =	sadd.s32 s26, s20  }
0xcc: {  	v9 =	vmul.u32 $0x1800, v9;
	s26 =	sadd.s32 s30, s26  }
0xcd: {  	[tilespmem:v5+s26+$0x0 ss:$0x1] =	vst.idx.msk $0xffff, v7;
	v7 =	vshll.u32 v8, $0x7  }
0xce: {  	s26 =	sshrl.u32 s28, $0x3;
	v8 =	vadd.s32 v4, v9;
	v6 =	vld.idx.msk [tilespmem:v6+s3+$0x0], $0xffff;
	v7 =	vand.u32 $0x380, v7  }
0xcf: {  	s26 =	smul.u32 $0x3000, s26;
	v7 =	vor.u32 v7, v8  }
0xd0: {  	s28 =	sadd.s32 $0xFFFFFFFE, s25;
	v7 =	vor.u32 v3, v7  }
0xd1: {  	s30 =	sadd.s32 $0xFFFFFE80, s23;
	v8 =	vmov s28;
	s26 =	sshra.s32 s26, $0x2  }
0xd2: {  	s30 =	sand.u32 $0x380, s30;
	v9 =	vshrl.u32 v8, $0x3;
	s26 =	sadd.s32 s26, s20  }
0xd3: {  	v9 =	vmul.u32 $0x1800, v9;
	s26 =	sadd.s32 s30, s26  }
0xd4: {  	[tilespmem:v5+s26+$0x0 ss:$0x1] =	vst.idx.msk $0xffff, v6;
	v6 =	vshll.u32 v8, $0x7  }
0xd5: {  	s26 =	sshrl.u32 s29, $0x3;
	v8 =	vadd.s32 v4, v9;
	v7 =	vld.idx.msk [tilespmem:v7+s3+$0x0], $0xffff;
	v6 =	vand.u32 $0x380, v6  }
0xd6: {  	s26 =	smul.u32 $0x3000, s26;
	v6 =	vor.u32 v6, v8  }
0xd7: {  	s29 =	sadd.s32 $0xFFFFFFFF, s25;
	v6 =	vor.u32 v3, v6  }
0xd8: {  	s30 =	sadd.s32 $0xFFFFFF00, s23;
	v8 =	vmov s29;
	s26 =	sshra.s32 s26, $0x2  }
0xd9: {  	s30 =	sand.u32 $0x380, s30;
	v9 =	vshrl.u32 v8, $0x3;
	s26 =	sadd.s32 s26, s20  }
0xda: {  	v9 =	vmul.u32 $0x1800, v9;
	s26 =	sadd.s32 s30, s26  }
0xdb: {  	[tilespmem:v5+s26+$0x0 ss:$0x1] =	vst.idx.msk $0xffff, v7;
	v7 =	vshll.u32 v8, $0x7  }
0xdc: {  	s26 =	sshrl.u32 s28, $0x3;
	v8 =	vadd.s32 v4, v9;
	v6 =	vld.idx.msk [tilespmem:v6+s3+$0x0], $0xffff;
	v7 =	vand.u32 $0x380, v7  }
0xdd: {  	s26 =	smul.u32 $0x3000, s26;
	v7 =	vor.u32 v7, v8  }
0xde: {  	v7 =	vor.u32 v3, v7  }
0xdf: {  	s28 =	sadd.s32 $0xFFFFFF80, s23;
	v8 =	vmov s25;
	s26 =	sshra.s32 s26, $0x2  }
.Ltmp6:
0xe0: {  	s28 =	sand.u32 $0x380, s28;
	v9 =	vshrl.u32 v8, $0x3;
	s26 =	sadd.s32 s26, s20;
	(pc) =	sbr.rel @p1 .LBB2_7-.Ltmp6, $4  }
0xe1: {  	v9 =	vmul.u32 $0x1800, v9;
	s26 =	sadd.s32 s28, s26  }
0xe2: {  	v8 =	vshll.u32 v8, $0x7;
	[tilespmem:v5+s26+$0x0 ss:$0x1] =	vst.idx.msk $0xffff, v6  }
0xe3: {  	v8 =	vand.u32 $0x380, v8;
	s26 =	sshrl.u32 s29, $0x3;
	v6 =	vld.idx.msk [tilespmem:v7+s3+$0x0], $0xffff;
	v7 =	vadd.s32 v4, v9  }
0xe4: {  	s25 =	sadd.s32 $0x7, s25;
	s26 =	smul.u32 $0x3000, s26;
	v7 =	vor.u32 v8, v7  }
0xe5: {  	s25 =	smov.u32 s22  }
.LBB2_9:
0xe6: {  	v3 =	vor.u32 v3, v7  }
0xe7: {  	s22 =	sshra.s32 s26, $0x2  }
0xe8: {  	s23 =	sand.u32 $0x380, s23;
	s20 =	sadd.s32 s22, s20  }
0xe9: {  	s20 =	sadd.s32 s23, s20  }
0xea: {  	s31 =	sshrl.u32 s25, $0x3;
	s19 =	sadd.s32 $0x1, s19;
	s22 =	sadd.s32 @p0 $0xFFFFFF80, s24;
	[tilespmem:v5+s20+$0x0 ss:$0x1] =	vst.idx.msk $0xffff, v6  }
0xeb: {  	s21 =	smov.u32 @p0 s22;
	p0 =	sne.s32 s19, $0x18;
	s20 =	smul.u32 $0x3000, s31;
	v3 =	vld.idx.msk [tilespmem:v3+s3+$0x0], $0xffff  }
.Ltmp7:
0xec: {  	_ = 	snop;
	(pc) =	sbr.rel @p0 .LBB2_3-.Ltmp7, $4  }
.Ltmp8:
0xed: {  	_ = 	snop;
	(pc) =	sbr.rel @!p0 .LBB2_10-.Ltmp8, $4  }
0xee: {  	s20 =	sshra.s32 s20, $0x2  }
0xef: {  	s20 =	sadd.s32 s20, s21  }
0xf0: {  	s18 =	sadd.s32 $0x80, s18;
	s17 =	sadd.s32 $0x1, s17;
	[tilespmem:s20+$0x0] =	vst v3  }
0xf1: {  	_ = 	snop  }
.LBB2_4:
.Ltmp9:
0xf2: {  	(pc) =	sbr.rel .LBB2_9-.Ltmp9, $2  }
0xf3: {  	_ =	sdelay $0x2  }
0xf4: {  	s24 =	smov.u32 s21  }
.LBB2_6:
.Ltmp10:
0xf5: {  	(pc) =	sbr.rel .LBB2_9-.Ltmp10, $2  }
0xf6: {  	_ =	sdelay $0x2  }
0xf7: {  	s25 =	simm.s32 $0xD;
	s24 =	smov.u32 s21  }
.LBB2_12:
0xf8: {  	_ =	sfence.sel $0x180000  }
0xf9: {  	[bflag:$0x0] =	sbarrier.arrive $0xFFFF  }
0xfa: {  	p0 =	sne.s32 s2, $0x0;
	_ =	strace $0x90000047  }
0xfb: {  	s0 =	sadd.s32 @!p0 $0x100000, s0;
	[bflag:$0x2] =	sbarrier.arrive $0xFFFF  }
0xfc: {  	[sflag:s0] =	ssyncadd.tile.s32 @!p0 $0x1;
	_ =	shalt  }
.Lfunc_end2:
_tile_overlayer_lowered:
.L_overlay_start_2:
0xfd: {  	(tag) =	ssettag $0x2  }
0xfe: {  	s0 =	rddreg [dreg:$0x0];
	s2 =	stileid.u32  }
0xff: {  	s1 =	rddreg [dreg:$0x1];
	p0 =	sne.s32 s2, $0x0  }
0x100: {  	s3 =	rddreg [dreg:$0x2];
	[bflag:$0x3] =	sbarrier.arrive $0xFFFF;
	s2 =	simm.s32 @!p0 $0x1C01  }
0x101: {  	[timem:s3], [sflag:s2] =	dma.local @!p0 [hbm:s0], s1  }
0x102: {  	s0 =	simm.s32 @!p0 $0x1  }
0x103: {  	_ =	swait.ge @!p0 [sflag:s0], s1  }
0x104: {  	s1 =	ssub.s32 @!p0 $0x0, s1;
	[sflag:s0] =	ssyncset.done @!p0 $0x0  }
0x105: {  	[sflag:s0] =	ssyncadd.s32 @!p0 s1  }
0x106: {  	[bflag:$0x3] =	sbarrier.arrive $0xFFFF  }
0x107: {  	_ =	shalt  }

</sc_bundles>
